<compile_context>
chip_gen: v7x
topology: tpu7x:2x2x1
jax: 0.10.2.dev20260603
libtpu: 0.0.44.dev20260713+nightly
codegen_flags: <defaults>
</compile_context>

<pallas_src>
import jax
import jax.numpy as jnp
from jax import lax
from jax.experimental import pallas as pl
from jax.experimental.pallas import tpu as pltpu
from jax.experimental.pallas import tpu_sc as plsc

D = 128
N = 100000
G = 128
EPS_ = 1e-05
NC, NS, L = 2, 16, 16
NW = NC * NS
RPW = N // NW
NBLK = 25
BR = RPW // NBLK
BW = BR * D
BPAD = 256
NCH = D // L

_mesh = plsc.VectorSubcoreMesh(
    core_axis_name="c", subcore_axis_name="s", num_cores=NC, num_subcores=NS)
_sc_cp = pltpu.CompilerParams(needs_layout_passes=False)


def _wid():
    return lax.axis_index("c") * NS + lax.axis_index("s")


def _block_r0(wid, b):
    return (wid * NBLK + b) * BR


def _batch_base(r0):
    base8 = pl.multiple_of((r0 >> 3) << 3, 8)
    return base8, r0 - base8


def _stats_body(x_hbm, b_hbm, sum_hbm, sq_hbm, cnt_hbm,
                xbuf, bbuf, sum_v, sq_v, cnt_v, sx0, sx1):
    wid = _wid()
    zeros = jnp.zeros((L,), jnp.float32)

    def zloop(i, _):
        row = i >> 3
        col = (i & 7) * L
        sum_v[row, pl.ds(col, L)] = zeros
        sq_v[row, pl.ds(col, L)] = zeros
        return 0
    lax.fori_loop(0, (G + 1) * NCH, zloop, 0)

    def zcnt(i, _):
        cnt_v[i, :] = zeros
        return 0
    lax.fori_loop(0, G + 1, zcnt, 0)

    def start_in(b, par):
        r0 = _block_r0(wid, b)
        base8, _ = _batch_base(r0)
        sem = sx0 if par == 0 else sx1
        pltpu.async_copy(x_hbm.at[pl.ds(r0 * D, BW)],
                         xbuf.at[pl.ds(par * BW, BW)], sem)
        pltpu.async_copy(b_hbm.at[pl.ds(base8, BPAD)],
                         bbuf.at[pl.ds(par * BPAD, BPAD)], sem)

    def wait_in(b, par):
        r0 = _block_r0(wid, b)
        base8, _ = _batch_base(r0)
        sem = sx0 if par == 0 else sx1
        pltpu.make_async_copy(x_hbm.at[pl.ds(r0 * D, BW)],
                              xbuf.at[pl.ds(par * BW, BW)], sem).wait()
        pltpu.make_async_copy(b_hbm.at[pl.ds(base8, BPAD)],
                              bbuf.at[pl.ds(par * BPAD, BPAD)], sem).wait()

    start_in(0, 0)
    start_in(1, 1)

    def blk(b, carry):
        par = b & 1
        pb = par * BPAD

        @pl.when(par == 0)
        def _():
            wait_in(b, 0)

        @pl.when(par == 1)
        def _():
            wait_in(b, 1)

        r0 = _block_r0(wid, b)
        _, off = _batch_base(r0)

        def row(n, c):
            gprev, nstart, acc = c
            g = bbuf[pl.ds(pb + off + n, L)][0]
            nglob = b * BR + n

            def flush():
                for cc in range(NCH):
                    sum_v[gprev, pl.ds(cc * L, L)] = acc[cc]
                    sq_v[gprev, pl.ds(cc * L, L)] = acc[NCH + cc]
                cnt_v[gprev, :] = jnp.full((L,), nglob - nstart, jnp.float32)
                return (g, nglob, tuple(zeros for _ in range(2 * NCH)))

            def keep():
                return (gprev, nstart, acc)

            gprev, nstart, acc = lax.cond(g != gprev, flush, keep)
            base = par * BW + n * D
            sv = list(acc[:NCH])
            qv = list(acc[NCH:])
            for cc in range(NCH):
                xv = xbuf[pl.ds(base + cc * L, L)]
                sv[cc] = sv[cc] + xv
                qv[cc] = qv[cc] + xv * xv
            return (gprev, nstart, tuple(sv) + tuple(qv))

        carry = lax.fori_loop(0, BR, row, carry)

        @pl.when(jnp.logical_and(par == 0, b + 2 < NBLK))
        def _():
            start_in(b + 2, 0)

        @pl.when(jnp.logical_and(par == 1, b + 2 < NBLK))
        def _():
            start_in(b + 2, 1)

        return carry

    init = (jnp.int32(G), jnp.int32(0),
            tuple(zeros for _ in range(2 * NCH)))
    gl, nstart, acc = lax.fori_loop(0, NBLK, blk, init)
    for cc in range(NCH):
        sum_v[gl, pl.ds(cc * L, L)] = acc[cc]
        sq_v[gl, pl.ds(cc * L, L)] = acc[NCH + cc]
    cnt_v[gl, :] = jnp.full((L,), RPW - nstart, jnp.float32)

    pltpu.sync_copy(sum_v.at[pl.ds(0, G)], sum_hbm.at[wid])
    pltpu.sync_copy(sq_v.at[pl.ds(0, G)], sq_hbm.at[wid])
    pltpu.sync_copy(cnt_v.at[pl.ds(0, G)], cnt_hbm.at[wid])


_stats = pl.kernel(
    _stats_body,
    out_type=(
        jax.ShapeDtypeStruct((NW, G, D), jnp.float32),
        jax.ShapeDtypeStruct((NW, G, D), jnp.float32),
        jax.ShapeDtypeStruct((NW, G, L), jnp.float32),
    ),
    mesh=_mesh,
    scratch_types=[
        pltpu.VMEM((2 * BW,), jnp.float32),
        pltpu.VMEM((2 * BPAD,), jnp.int32),
        pltpu.VMEM((G + 1, D), jnp.float32),
        pltpu.VMEM((G + 1, D), jnp.float32),
        pltpu.VMEM((G + 1, L), jnp.float32),
        pltpu.SemaphoreType.DMA,
        pltpu.SemaphoreType.DMA,
    ],
    compiler_params=_sc_cp,
)


def _params_body(sum_ref, sq_ref, cnt_ref, alpha_ref, gamma_ref, beta_ref,
                 a_ref, b_ref):
    s = jnp.sum(sum_ref[...], axis=0)
    q = jnp.sum(sq_ref[...], axis=0)
    cnt = jnp.sum(cnt_ref[...], axis=0)[:, 0:1]
    count = jnp.clip(cnt, 1.0, None)
    al = alpha_ref[0, 0]
    mean = s / count
    ex2 = q / count
    var = jnp.maximum(ex2 - (2.0 * al - al * al) * mean * mean, 0.0)
    inv = 1.0 / jnp.sqrt(var + EPS_)
    a = gamma_ref[...] * inv
    a_ref[...] = a
    b_ref[...] = beta_ref[...] - al * mean * a


def _params(sums, sqs, cnts, alpha, gamma, beta):
    return pl.pallas_call(
        _params_body,
        out_shape=(
            jax.ShapeDtypeStruct((G, D), jnp.float32),
            jax.ShapeDtypeStruct((G, D), jnp.float32),
        ),
    )(sums, sqs, cnts, alpha.reshape(1, 1), gamma.reshape(1, D),
      beta.reshape(1, D))


def _norm_body(x_hbm, b_hbm, a_hbm, bb_hbm, y_hbm,
               xbuf, bbuf, abuf, betabuf, ybuf, sx0, sx1, sy0, sy1):
    wid = _wid()
    zeros = jnp.zeros((L,), jnp.float32)
    pltpu.sync_copy(a_hbm, abuf)
    pltpu.sync_copy(bb_hbm, betabuf)

    def start_in(b, par):
        r0 = _block_r0(wid, b)
        base8, _ = _batch_base(r0)
        sem = sx0 if par == 0 else sx1
        pltpu.async_copy(x_hbm.at[pl.ds(r0 * D, BW)],
                         xbuf.at[pl.ds(par * BW, BW)], sem)
        pltpu.async_copy(b_hbm.at[pl.ds(base8, BPAD)],
                         bbuf.at[pl.ds(par * BPAD, BPAD)], sem)

    def wait_in(b, par):
        r0 = _block_r0(wid, b)
        base8, _ = _batch_base(r0)
        sem = sx0 if par == 0 else sx1
        pltpu.make_async_copy(x_hbm.at[pl.ds(r0 * D, BW)],
                              xbuf.at[pl.ds(par * BW, BW)], sem).wait()
        pltpu.make_async_copy(b_hbm.at[pl.ds(base8, BPAD)],
                              bbuf.at[pl.ds(par * BPAD, BPAD)], sem).wait()

    def start_out(b, par):
        r0 = _block_r0(wid, b)
        sem = sy0 if par == 0 else sy1
        pltpu.async_copy(ybuf.at[pl.ds(par * BW, BW)],
                         y_hbm.at[pl.ds(r0 * D, BW)], sem)

    def wait_out(b, par):
        r0 = _block_r0(wid, b)
        sem = sy0 if par == 0 else sy1
        pltpu.make_async_copy(ybuf.at[pl.ds(par * BW, BW)],
                              y_hbm.at[pl.ds(r0 * D, BW)], sem).wait()

    start_in(0, 0)
    start_in(1, 1)

    def blk(b, carry):
        par = b & 1
        pb = par * BPAD

        @pl.when(par == 0)
        def _():
            wait_in(b, 0)

        @pl.when(par == 1)
        def _():
            wait_in(b, 1)

        @pl.when(jnp.logical_and(par == 0, b >= 2))
        def _():
            wait_out(b - 2, 0)

        @pl.when(jnp.logical_and(par == 1, b >= 2))
        def _():
            wait_out(b - 2, 1)

        r0 = _block_r0(wid, b)
        _, off = _batch_base(r0)

        def row(n, c):
            gprev, ab = c
            g = bbuf[pl.ds(pb + off + n, L)][0]

            def reload():
                return (g,) + tuple(
                    abuf[g, pl.ds(cc * L, L)] for cc in range(NCH)) + tuple(
                    betabuf[g, pl.ds(cc * L, L)] for cc in range(NCH))

            def keep():
                return (gprev,) + ab

            res = lax.cond(g != gprev, reload, keep)
            gprev, ab = res[0], res[1:]
            base = par * BW + n * D
            for cc in range(NCH):
                xv = xbuf[pl.ds(base + cc * L, L)]
                ybuf[pl.ds(base + cc * L, L)] = xv * ab[cc] + ab[NCH + cc]
            return (gprev, ab)

        carry = lax.fori_loop(0, BR, row, carry)

        @pl.when(par == 0)
        def _():
            start_out(b, 0)

        @pl.when(par == 1)
        def _():
            start_out(b, 1)

        @pl.when(jnp.logical_and(par == 0, b + 2 < NBLK))
        def _():
            start_in(b + 2, 0)

        @pl.when(jnp.logical_and(par == 1, b + 2 < NBLK))
        def _():
            start_in(b + 2, 1)

        return carry

    init = (jnp.int32(-1), tuple(zeros for _ in range(2 * NCH)))
    lax.fori_loop(0, NBLK, blk, init)
    wait_out(NBLK - 2, 1)
    wait_out(NBLK - 1, 0)


_norm = pl.kernel(
    _norm_body,
    out_type=jax.ShapeDtypeStruct((N * D,), jnp.float32),
    mesh=_mesh,
    scratch_types=[
        pltpu.VMEM((2 * BW,), jnp.float32),
        pltpu.VMEM((2 * BPAD,), jnp.int32),
        pltpu.VMEM((G, D), jnp.float32),
        pltpu.VMEM((G, D), jnp.float32),
        pltpu.VMEM((2 * BW,), jnp.float32),
        pltpu.SemaphoreType.DMA,
        pltpu.SemaphoreType.DMA,
        pltpu.SemaphoreType.DMA,
        pltpu.SemaphoreType.DMA,
    ],
    compiler_params=_sc_cp,
)


@jax.jit
def kernel(x, batch, alpha, gamma, beta):
    b32 = batch.astype(jnp.int32)
    bpad = jnp.concatenate([b32, jnp.zeros((128,), jnp.int32)])
    xf = x.reshape(N * D)
    sums, sqs, cnts = _stats(xf, bpad)
    a, bout = _params(sums, sqs, cnts, alpha, gamma, beta)
    return _norm(xf, bpad, a, bout).reshape(N, D)

# --- scband reference (transcript-rebuilt; emitter-appended) ---
"""Pipeline reference for scband-graph-norm-25812753449209 (READ-ONLY COPY).

The authoritative reference and input builder live on the scoring server;
editing this copy changes nothing except your own understanding.
"""

import jax, jax.numpy as jnp
import numpy as np

HIDDEN_DIM = 128
NUM_NODES = 100000
NUM_GRAPHS = 128
EPS = 1e-05

def setup_inputs(seed: int = 0) -> dict:
    key = jax.random.key(seed)
    k1, k2 = jax.random.split(key)
    x = jax.random.normal(k1, (NUM_NODES, HIDDEN_DIM), dtype=jnp.float32)
    batch = jnp.sort(jax.random.randint(k2, (NUM_NODES,), 0, NUM_GRAPHS, dtype=jnp.int64))
    alpha = jnp.ones((1,), dtype=jnp.float32) * 0.5
    gamma = jnp.ones((HIDDEN_DIM,), dtype=jnp.float32)
    beta = jnp.zeros((HIDDEN_DIM,), dtype=jnp.float32)
    return {"x": x, "batch": batch, "alpha": alpha, "gamma": gamma, "beta": beta}

def reference(x, batch, alpha, gamma, beta):
    num_graphs = NUM_GRAPHS
    count = jnp.clip(jnp.bincount(batch, length=num_graphs).astype(x.dtype), 1.0, None)
    sum_x = jax.ops.segment_sum(x, batch, num_segments=num_graphs)
    mean = sum_x / count[:, None]
    x = x - alpha * mean[batch]
    sum_sq = jax.ops.segment_sum(x * x, batch, num_segments=num_graphs)
    var = sum_sq / count[:, None]
    std = jnp.sqrt(var + EPS)
    x = x / std[batch]
    return x * gamma + beta

if __name__ == "__main__":
    import jax
    _d = setup_inputs()
    print(jax.jit(kernel)(*tuple(_d.values())))

</pallas_src>

<mosaic_0001>
#map = affine_map<(d0, d1) -> (0)>
#map1 = affine_map<(d0, d1) -> (0, 0)>
module attributes {stable_mosaic.version = 14 : i64} {
  func.func @_norm_body(%arg0: i32, %arg1: i32, %arg2: memref<12800000xf32, #tpu.memory_space<hbm>>, %arg3: memref<100128xi32, #tpu.memory_space<hbm>>, %arg4: memref<128x128xf32, #tpu.memory_space<hbm>>, %arg5: memref<128x128xf32, #tpu.memory_space<hbm>>, %arg6: memref<12800000xf32, #tpu.memory_space<hbm>>, %arg7: memref<32000xf32, #tpu.memory_space<vmem>>, %arg8: memref<512xi32, #tpu.memory_space<vmem>>, %arg9: memref<128x128xf32, #tpu.memory_space<vmem>>, %arg10: memref<128x128xf32, #tpu.memory_space<vmem>>, %arg11: memref<32000xf32, #tpu.memory_space<vmem>>, %arg12: memref<!tpu.dma_semaphore, #tpu.memory_space<semaphore_mem>>, %arg13: memref<!tpu.dma_semaphore, #tpu.memory_space<semaphore_mem>>, %arg14: memref<!tpu.dma_semaphore, #tpu.memory_space<semaphore_mem>>, %arg15: memref<!tpu.dma_semaphore, #tpu.memory_space<semaphore_mem>>) attributes {dimension_semantics = [#tpu.dimension_semantics<core_parallel>, #tpu.dimension_semantics<subcore_parallel>], iteration_bounds = array<i64: 2, 16>, scalar_prefetch = 0 : i64, scratch_operands = 9 : i64, tpu.core_type = #tpu.core_type<sc_vector_subcore>, window_params = [{transform_indices = #map}, {transform_indices = #map}, {transform_indices = #map1}, {transform_indices = #map1}, {transform_indices = #map}]} {
    %mul3A = arith.constant 16 : i32
    %mul3A_0 = arith.muli %arg0, %mul3A : i32
    %add3A = arith.addi %mul3A_0, %arg1 : i32
    %broadcast_in_dim3A = arith.constant 0.000000e+00 : f32
    %broadcast_in_dim3A_1 = vector.broadcast %broadcast_in_dim3A : f32 to vector<16xf32>
    "tpu.region"() ({
      %run_scoped3A = tpu.sem_alloc : memref<!tpu.dma_semaphore, #tpu.memory_space<semaphore_mem>>
      tpu.enqueue_dma source(%arg4 : memref<128x128xf32, #tpu.memory_space<hbm>>) target(%arg9 : memref<128x128xf32, #tpu.memory_space<vmem>>) target_semaphore(%run_scoped3A : memref<!tpu.dma_semaphore, #tpu.memory_space<semaphore_mem>>)
      tpu.wait_dma2 semaphore(%run_scoped3A : memref<!tpu.dma_semaphore, #tpu.memory_space<semaphore_mem>>) src(%arg4 : memref<128x128xf32, #tpu.memory_space<hbm>>) dst(%arg9 : memref<128x128xf32, #tpu.memory_space<vmem>>)
      tpu.yield
    }) : () -> ()
    "tpu.region"() ({
      %run_scoped3A = tpu.sem_alloc : memref<!tpu.dma_semaphore, #tpu.memory_space<semaphore_mem>>
      tpu.enqueue_dma source(%arg5 : memref<128x128xf32, #tpu.memory_space<hbm>>) target(%arg10 : memref<128x128xf32, #tpu.memory_space<vmem>>) target_semaphore(%run_scoped3A : memref<!tpu.dma_semaphore, #tpu.memory_space<semaphore_mem>>)
      tpu.wait_dma2 semaphore(%run_scoped3A : memref<!tpu.dma_semaphore, #tpu.memory_space<semaphore_mem>>) src(%arg5 : memref<128x128xf32, #tpu.memory_space<hbm>>) dst(%arg10 : memref<128x128xf32, #tpu.memory_space<vmem>>)
      tpu.yield
    }) : () -> ()
    %mul3A_2 = arith.constant 25 : i32
    %mul3A_3 = arith.muli %add3A, %mul3A_2 : i32
    %add3A_4 = arith.constant 0 : i32
    %add3A_5 = arith.addi %mul3A_3, %add3A_4 : i32
    %mul3A_6 = arith.constant 125 : i32
    %mul3A_7 = arith.muli %add3A_5, %mul3A_6 : i32
    %shift_right_arithmetic3A = arith.constant 3 : i32
    %shift_right_arithmetic3A_8 = arith.shrsi %mul3A_7, %shift_right_arithmetic3A : i32
    %shift_left3A = arith.constant 3 : i32
    %shift_left3A_9 = arith.shli %shift_right_arithmetic3A_8, %shift_left3A : i32
    %multiple_of3A = tpu.assume_multiple %shift_left3A_9, 8 : i32
    %sub3A = arith.subi %mul3A_7, %multiple_of3A : i32
    %mul3A_10 = arith.constant 128 : i32
    %mul3A_11 = arith.muli %mul3A_7, %mul3A_10 : i32
    %dma_start3A = arith.constant 0 : i32
    %dma_start3A_12 = tpu.memref_slice %arg7[%dma_start3A] : memref<32000xf32, #tpu.memory_space<vmem>> -> memref<16000xf32, #tpu.memory_space<vmem>>
    %dma_start3A_13 = tpu.memref_slice %arg2[%mul3A_11] : memref<12800000xf32, #tpu.memory_space<hbm>> -> memref<16000xf32, #tpu.memory_space<hbm>>
    %dma_start3A_14 = arith.constant 0 : i32
    %dma_start3A_15 = tpu.memref_slice %arg7[%dma_start3A_14] : memref<32000xf32, #tpu.memory_space<vmem>> -> memref<16000xf32, #tpu.memory_space<vmem>>
    %dma_start3A_16 = tpu.memref_slice %arg2[%mul3A_11] : memref<12800000xf32, #tpu.memory_space<hbm>> -> memref<16000xf32, #tpu.memory_space<hbm>>
    tpu.enqueue_dma source(%dma_start3A_16 : memref<16000xf32, #tpu.memory_space<hbm>>) target(%dma_start3A_15 : memref<16000xf32, #tpu.memory_space<vmem>>) target_semaphore(%arg12 : memref<!tpu.dma_semaphore, #tpu.memory_space<semaphore_mem>>)
    %dma_start3A_17 = arith.constant 0 : i32
    %dma_start3A_18 = tpu.memref_slice %arg8[%dma_start3A_17] : memref<512xi32, #tpu.memory_space<vmem>> -> memref<256xi32, #tpu.memory_space<vmem>>
    %dma_start3A_19 = tpu.memref_slice %arg3[%multiple_of3A] : memref<100128xi32, #tpu.memory_space<hbm>> -> memref<256xi32, #tpu.memory_space<hbm>>
    %dma_start3A_20 = arith.constant 0 : i32
    %dma_start3A_21 = tpu.memref_slice %arg8[%dma_start3A_20] : memref<512xi32, #tpu.memory_space<vmem>> -> memref<256xi32, #tpu.memory_space<vmem>>
    %dma_start3A_22 = tpu.memref_slice %arg3[%multiple_of3A] : memref<100128xi32, #tpu.memory_space<hbm>> -> memref<256xi32, #tpu.memory_space<hbm>>
    tpu.enqueue_dma source(%dma_start3A_22 : memref<256xi32, #tpu.memory_space<hbm>>) target(%dma_start3A_21 : memref<256xi32, #tpu.memory_space<vmem>>) target_semaphore(%arg12 : memref<!tpu.dma_semaphore, #tpu.memory_space<semaphore_mem>>)
    %mul3A_23 = arith.constant 25 : i32
    %mul3A_24 = arith.muli %add3A, %mul3A_23 : i32
    %add3A_25 = arith.constant 1 : i32
    %add3A_26 = arith.addi %mul3A_24, %add3A_25 : i32
    %mul3A_27 = arith.constant 125 : i32
    %mul3A_28 = arith.muli %add3A_26, %mul3A_27 : i32
    %shift_right_arithmetic3A_29 = arith.constant 3 : i32
    %shift_right_arithmetic3A_30 = arith.shrsi %mul3A_28, %shift_right_arithmetic3A_29 : i32
    %shift_left3A_31 = arith.constant 3 : i32
    %shift_left3A_32 = arith.shli %shift_right_arithmetic3A_30, %shift_left3A_31 : i32
    %multiple_of3A_33 = tpu.assume_multiple %shift_left3A_32, 8 : i32
    %sub3A_34 = arith.subi %mul3A_28, %multiple_of3A_33 : i32
    %mul3A_35 = arith.constant 128 : i32
    %mul3A_36 = arith.muli %mul3A_28, %mul3A_35 : i32
    %dma_start3A_37 = arith.constant 16000 : i32
    %dma_start3A_38 = tpu.memref_slice %arg7[%dma_start3A_37] : memref<32000xf32, #tpu.memory_space<vmem>> -> memref<16000xf32, #tpu.memory_space<vmem>>
    %dma_start3A_39 = tpu.memref_slice %arg2[%mul3A_36] : memref<12800000xf32, #tpu.memory_space<hbm>> -> memref<16000xf32, #tpu.memory_space<hbm>>
    %dma_start3A_40 = arith.constant 16000 : i32
    %dma_start3A_41 = tpu.memref_slice %arg7[%dma_start3A_40] : memref<32000xf32, #tpu.memory_space<vmem>> -> memref<16000xf32, #tpu.memory_space<vmem>>
    %dma_start3A_42 = tpu.memref_slice %arg2[%mul3A_36] : memref<12800000xf32, #tpu.memory_space<hbm>> -> memref<16000xf32, #tpu.memory_space<hbm>>
    tpu.enqueue_dma source(%dma_start3A_42 : memref<16000xf32, #tpu.memory_space<hbm>>) target(%dma_start3A_41 : memref<16000xf32, #tpu.memory_space<vmem>>) target_semaphore(%arg13 : memref<!tpu.dma_semaphore, #tpu.memory_space<semaphore_mem>>)
    %dma_start3A_43 = arith.constant 256 : i32
    %dma_start3A_44 = tpu.memref_slice %arg8[%dma_start3A_43] : memref<512xi32, #tpu.memory_space<vmem>> -> memref<256xi32, #tpu.memory_space<vmem>>
    %dma_start3A_45 = tpu.memref_slice %arg3[%multiple_of3A_33] : memref<100128xi32, #tpu.memory_space<hbm>> -> memref<256xi32, #tpu.memory_space<hbm>>
    %dma_start3A_46 = arith.constant 256 : i32
    %dma_start3A_47 = tpu.memref_slice %arg8[%dma_start3A_46] : memref<512xi32, #tpu.memory_space<vmem>> -> memref<256xi32, #tpu.memory_space<vmem>>
    %dma_start3A_48 = tpu.memref_slice %arg3[%multiple_of3A_33] : memref<100128xi32, #tpu.memory_space<hbm>> -> memref<256xi32, #tpu.memory_space<hbm>>
    tpu.enqueue_dma source(%dma_start3A_48 : memref<256xi32, #tpu.memory_space<hbm>>) target(%dma_start3A_47 : memref<256xi32, #tpu.memory_space<vmem>>) target_semaphore(%arg13 : memref<!tpu.dma_semaphore, #tpu.memory_space<semaphore_mem>>)
    %scan3A = arith.constant -1 : i32
    %scan3A_49 = arith.constant 0 : i32
    %scan3A_50 = arith.constant 25 : i32
    %scan3A_51 = arith.addi %scan3A_49, %scan3A_50 : i32
    %scan3A_52 = arith.constant 1 : i32
    %scan3A_53:17 = scf.for %scan3A_82 = %scan3A_49 to %scan3A_51 step %scan3A_52 iter_args(%scan3A_83 = %scan3A, %scan3A_84 = %broadcast_in_dim3A_1, %scan3A_85 = %broadcast_in_dim3A_1, %scan3A_86 = %broadcast_in_dim3A_1, %scan3A_87 = %broadcast_in_dim3A_1, %scan3A_88 = %broadcast_in_dim3A_1, %scan3A_89 = %broadcast_in_dim3A_1, %scan3A_90 = %broadcast_in_dim3A_1, %scan3A_91 = %broadcast_in_dim3A_1, %scan3A_92 = %broadcast_in_dim3A_1, %scan3A_93 = %broadcast_in_dim3A_1, %scan3A_94 = %broadcast_in_dim3A_1, %scan3A_95 = %broadcast_in_dim3A_1, %scan3A_96 = %broadcast_in_dim3A_1, %scan3A_97 = %broadcast_in_dim3A_1, %scan3A_98 = %broadcast_in_dim3A_1, %scan3A_99 = %broadcast_in_dim3A_1) -> (i32, vector<16xf32>, vector<16xf32>, vector<16xf32>, vector<16xf32>, vector<16xf32>, vector<16xf32>, vector<16xf32>, vector<16xf32>, vector<16xf32>, vector<16xf32>, vector<16xf32>, vector<16xf32>, vector<16xf32>, vector<16xf32>, vector<16xf32>, vector<16xf32>)  : i32 {
      %and3A = arith.constant 1 : i32
      %and3A_100 = arith.andi %scan3A_82, %and3A : i32
      %mul3A_101 = arith.constant 256 : i32
      %mul3A_102 = arith.muli %and3A_100, %mul3A_101 : i32
      %eq3A = arith.constant 0 : i32
      %eq3A_103 = arith.cmpi eq, %and3A_100, %eq3A : i32
      %convert_element_type3A = arith.extui %eq3A_103 : i1 to i32
      %cond3A = arith.constant 0 : i32
      %cond3A_104 = arith.cmpi ne, %convert_element_type3A, %cond3A : i32
      scf.if %cond3A_104 {
        %mul3A_171 = arith.constant 25 : i32
        %mul3A_172 = arith.muli %add3A, %mul3A_171 : i32
        %add3A_173 = arith.addi %mul3A_172, %scan3A_82 : i32
        %mul3A_174 = arith.constant 125 : i32
        %mul3A_175 = arith.muli %add3A_173, %mul3A_174 : i32
        %shift_right_arithmetic3A_176 = arith.constant 3 : i32
        %shift_right_arithmetic3A_177 = arith.shrsi %mul3A_175, %shift_right_arithmetic3A_176 : i32
        %shift_left3A_178 = arith.constant 3 : i32
        %shift_left3A_179 = arith.shli %shift_right_arithmetic3A_177, %shift_left3A_178 : i32
        %multiple_of3A_180 = tpu.assume_multiple %shift_left3A_179, 8 : i32
        %sub3A_181 = arith.subi %mul3A_175, %multiple_of3A_180 : i32
        %mul3A_182 = arith.constant 128 : i32
        %mul3A_183 = arith.muli %mul3A_175, %mul3A_182 : i32
        %dma_wait3A_184 = arith.constant 0 : i32
        %dma_wait3A_185 = tpu.memref_slice %arg7[%dma_wait3A_184] : memref<32000xf32, #tpu.memory_space<vmem>> -> memref<16000xf32, #tpu.memory_space<vmem>>
        %dma_wait3A_186 = tpu.memref_slice %arg2[%mul3A_183] : memref<12800000xf32, #tpu.memory_space<hbm>> -> memref<16000xf32, #tpu.memory_space<hbm>>
        %dma_wait3A_187 = arith.constant 0 : i32
        %dma_wait3A_188 = tpu.memref_slice %arg7[%dma_wait3A_187] : memref<32000xf32, #tpu.memory_space<vmem>> -> memref<16000xf32, #tpu.memory_space<vmem>>
        %dma_wait3A_189 = tpu.memref_slice %arg2[%mul3A_183] : memref<12800000xf32, #tpu.memory_space<hbm>> -> memref<16000xf32, #tpu.memory_space<hbm>>
        tpu.wait_dma2 semaphore(%arg12 : memref<!tpu.dma_semaphore, #tpu.memory_space<semaphore_mem>>) src(%dma_wait3A_189 : memref<16000xf32, #tpu.memory_space<hbm>>) dst(%dma_wait3A_188 : memref<16000xf32, #tpu.memory_space<vmem>>)
        %dma_wait3A_190 = arith.constant 0 : i32
        %dma_wait3A_191 = tpu.memref_slice %arg8[%dma_wait3A_190] : memref<512xi32, #tpu.memory_space<vmem>> -> memref<256xi32, #tpu.memory_space<vmem>>
        %dma_wait3A_192 = tpu.memref_slice %arg3[%multiple_of3A_180] : memref<100128xi32, #tpu.memory_space<hbm>> -> memref<256xi32, #tpu.memory_space<hbm>>
        %dma_wait3A_193 = arith.constant 0 : i32
        %dma_wait3A_194 = tpu.memref_slice %arg8[%dma_wait3A_193] : memref<512xi32, #tpu.memory_space<vmem>> -> memref<256xi32, #tpu.memory_space<vmem>>
        %dma_wait3A_195 = tpu.memref_slice %arg3[%multiple_of3A_180] : memref<100128xi32, #tpu.memory_space<hbm>> -> memref<256xi32, #tpu.memory_space<hbm>>
        tpu.wait_dma2 semaphore(%arg12 : memref<!tpu.dma_semaphore, #tpu.memory_space<semaphore_mem>>) src(%dma_wait3A_195 : memref<256xi32, #tpu.memory_space<hbm>>) dst(%dma_wait3A_194 : memref<256xi32, #tpu.memory_space<vmem>>)
      } else {
      }
      %eq3A_105 = arith.constant 1 : i32
      %eq3A_106 = arith.cmpi eq, %and3A_100, %eq3A_105 : i32
      %convert_element_type3A_107 = arith.extui %eq3A_106 : i1 to i32
      %cond3A_108 = arith.constant 0 : i32
      %cond3A_109 = arith.cmpi ne, %convert_element_type3A_107, %cond3A_108 : i32
      scf.if %cond3A_109 {
        %mul3A_171 = arith.constant 25 : i32
        %mul3A_172 = arith.muli %add3A, %mul3A_171 : i32
        %add3A_173 = arith.addi %mul3A_172, %scan3A_82 : i32
        %mul3A_174 = arith.constant 125 : i32
        %mul3A_175 = arith.muli %add3A_173, %mul3A_174 : i32
        %shift_right_arithmetic3A_176 = arith.constant 3 : i32
        %shift_right_arithmetic3A_177 = arith.shrsi %mul3A_175, %shift_right_arithmetic3A_176 : i32
        %shift_left3A_178 = arith.constant 3 : i32
        %shift_left3A_179 = arith.shli %shift_right_arithmetic3A_177, %shift_left3A_178 : i32
        %multiple_of3A_180 = tpu.assume_multiple %shift_left3A_179, 8 : i32
        %sub3A_181 = arith.subi %mul3A_175, %multiple_of3A_180 : i32
        %mul3A_182 = arith.constant 128 : i32
        %mul3A_183 = arith.muli %mul3A_175, %mul3A_182 : i32
        %dma_wait3A_184 = arith.constant 16000 : i32
        %dma_wait3A_185 = tpu.memref_slice %arg7[%dma_wait3A_184] : memref<32000xf32, #tpu.memory_space<vmem>> -> memref<16000xf32, #tpu.memory_space<vmem>>
        %dma_wait3A_186 = tpu.memref_slice %arg2[%mul3A_183] : memref<12800000xf32, #tpu.memory_space<hbm>> -> memref<16000xf32, #tpu.memory_space<hbm>>
        %dma_wait3A_187 = arith.constant 16000 : i32
        %dma_wait3A_188 = tpu.memref_slice %arg7[%dma_wait3A_187] : memref<32000xf32, #tpu.memory_space<vmem>> -> memref<16000xf32, #tpu.memory_space<vmem>>
        %dma_wait3A_189 = tpu.memref_slice %arg2[%mul3A_183] : memref<12800000xf32, #tpu.memory_space<hbm>> -> memref<16000xf32, #tpu.memory_space<hbm>>
        tpu.wait_dma2 semaphore(%arg13 : memref<!tpu.dma_semaphore, #tpu.memory_space<semaphore_mem>>) src(%dma_wait3A_189 : memref<16000xf32, #tpu.memory_space<hbm>>) dst(%dma_wait3A_188 : memref<16000xf32, #tpu.memory_space<vmem>>)
        %dma_wait3A_190 = arith.constant 256 : i32
        %dma_wait3A_191 = tpu.memref_slice %arg8[%dma_wait3A_190] : memref<512xi32, #tpu.memory_space<vmem>> -> memref<256xi32, #tpu.memory_space<vmem>>
        %dma_wait3A_192 = tpu.memref_slice %arg3[%multiple_of3A_180] : memref<100128xi32, #tpu.memory_space<hbm>> -> memref<256xi32, #tpu.memory_space<hbm>>
        %dma_wait3A_193 = arith.constant 256 : i32
        %dma_wait3A_194 = tpu.memref_slice %arg8[%dma_wait3A_193] : memref<512xi32, #tpu.memory_space<vmem>> -> memref<256xi32, #tpu.memory_space<vmem>>
        %dma_wait3A_195 = tpu.memref_slice %arg3[%multiple_of3A_180] : memref<100128xi32, #tpu.memory_space<hbm>> -> memref<256xi32, #tpu.memory_space<hbm>>
        tpu.wait_dma2 semaphore(%arg13 : memref<!tpu.dma_semaphore, #tpu.memory_space<semaphore_mem>>) src(%dma_wait3A_195 : memref<256xi32, #tpu.memory_space<hbm>>) dst(%dma_wait3A_194 : memref<256xi32, #tpu.memory_space<vmem>>)
      } else {
      }
      %eq3A_110 = arith.constant 0 : i32
      %eq3A_111 = arith.cmpi eq, %and3A_100, %eq3A_110 : i32
      %ge3A = arith.constant 2 : i32
      %ge3A_112 = arith.cmpi sge, %scan3A_82, %ge3A : i32
      %and3A_113 = arith.andi %eq3A_111, %ge3A_112 : i1
      %convert_element_type3A_114 = arith.extui %and3A_113 : i1 to i32
      %cond3A_115 = arith.constant 0 : i32
      %cond3A_116 = arith.cmpi ne, %convert_element_type3A_114, %cond3A_115 : i32
      scf.if %cond3A_116 {
        %sub3A_171 = arith.constant 2 : i32
        %sub3A_172 = arith.subi %scan3A_82, %sub3A_171 : i32
        %mul3A_173 = arith.constant 25 : i32
        %mul3A_174 = arith.muli %add3A, %mul3A_173 : i32
        %add3A_175 = arith.addi %mul3A_174, %sub3A_172 : i32
        %mul3A_176 = arith.constant 125 : i32
        %mul3A_177 = arith.muli %add3A_175, %mul3A_176 : i32
        %mul3A_178 = arith.constant 128 : i32
        %mul3A_179 = arith.muli %mul3A_177, %mul3A_178 : i32
        %dma_wait3A_180 = arith.constant 0 : i32
        %dma_wait3A_181 = tpu.memref_slice %arg11[%dma_wait3A_180] : memref<32000xf32, #tpu.memory_space<vmem>> -> memref<16000xf32, #tpu.memory_space<vmem>>
        %dma_wait3A_182 = tpu.memref_slice %arg6[%mul3A_179] : memref<12800000xf32, #tpu.memory_space<hbm>> -> memref<16000xf32, #tpu.memory_space<hbm>>
        %dma_wait3A_183 = tpu.memref_slice %arg6[%mul3A_179] : memref<12800000xf32, #tpu.memory_space<hbm>> -> memref<16000xf32, #tpu.memory_space<hbm>>
        %dma_wait3A_184 = arith.constant 0 : i32
        %dma_wait3A_185 = tpu.memref_slice %arg11[%dma_wait3A_184] : memref<32000xf32, #tpu.memory_space<vmem>> -> memref<16000xf32, #tpu.memory_space<vmem>>
        tpu.wait_dma2 semaphore(%arg14 : memref<!tpu.dma_semaphore, #tpu.memory_space<semaphore_mem>>) src(%dma_wait3A_185 : memref<16000xf32, #tpu.memory_space<vmem>>) dst(%dma_wait3A_183 : memref<16000xf32, #tpu.memory_space<hbm>>)
      } else {
      }
      %eq3A_117 = arith.constant 1 : i32
      %eq3A_118 = arith.cmpi eq, %and3A_100, %eq3A_117 : i32
      %ge3A_119 = arith.constant 2 : i32
      %ge3A_120 = arith.cmpi sge, %scan3A_82, %ge3A_119 : i32
      %and3A_121 = arith.andi %eq3A_118, %ge3A_120 : i1
      %convert_element_type3A_122 = arith.extui %and3A_121 : i1 to i32
      %cond3A_123 = arith.constant 0 : i32
      %cond3A_124 = arith.cmpi ne, %convert_element_type3A_122, %cond3A_123 : i32
      scf.if %cond3A_124 {
        %sub3A_171 = arith.constant 2 : i32
        %sub3A_172 = arith.subi %scan3A_82, %sub3A_171 : i32
        %mul3A_173 = arith.constant 25 : i32
        %mul3A_174 = arith.muli %add3A, %mul3A_173 : i32
        %add3A_175 = arith.addi %mul3A_174, %sub3A_172 : i32
        %mul3A_176 = arith.constant 125 : i32
        %mul3A_177 = arith.muli %add3A_175, %mul3A_176 : i32
        %mul3A_178 = arith.constant 128 : i32
        %mul3A_179 = arith.muli %mul3A_177, %mul3A_178 : i32
        %dma_wait3A_180 = arith.constant 16000 : i32
        %dma_wait3A_181 = tpu.memref_slice %arg11[%dma_wait3A_180] : memref<32000xf32, #tpu.memory_space<vmem>> -> memref<16000xf32, #tpu.memory_space<vmem>>
        %dma_wait3A_182 = tpu.memref_slice %arg6[%mul3A_179] : memref<12800000xf32, #tpu.memory_space<hbm>> -> memref<16000xf32, #tpu.memory_space<hbm>>
        %dma_wait3A_183 = tpu.memref_slice %arg6[%mul3A_179] : memref<12800000xf32, #tpu.memory_space<hbm>> -> memref<16000xf32, #tpu.memory_space<hbm>>
        %dma_wait3A_184 = arith.constant 16000 : i32
        %dma_wait3A_185 = tpu.memref_slice %arg11[%dma_wait3A_184] : memref<32000xf32, #tpu.memory_space<vmem>> -> memref<16000xf32, #tpu.memory_space<vmem>>
        tpu.wait_dma2 semaphore(%arg15 : memref<!tpu.dma_semaphore, #tpu.memory_space<semaphore_mem>>) src(%dma_wait3A_185 : memref<16000xf32, #tpu.memory_space<vmem>>) dst(%dma_wait3A_183 : memref<16000xf32, #tpu.memory_space<hbm>>)
      } else {
      }
      %mul3A_125 = arith.constant 25 : i32
      %mul3A_126 = arith.muli %add3A, %mul3A_125 : i32
      %add3A_127 = arith.addi %mul3A_126, %scan3A_82 : i32
      %mul3A_128 = arith.constant 125 : i32
      %mul3A_129 = arith.muli %add3A_127, %mul3A_128 : i32
      %shift_right_arithmetic3A_130 = arith.constant 3 : i32
      %shift_right_arithmetic3A_131 = arith.shrsi %mul3A_129, %shift_right_arithmetic3A_130 : i32
      %shift_left3A_132 = arith.constant 3 : i32
      %shift_left3A_133 = arith.shli %shift_right_arithmetic3A_131, %shift_left3A_132 : i32
      %multiple_of3A_134 = tpu.assume_multiple %shift_left3A_133, 8 : i32
      %sub3A_135 = arith.subi %mul3A_129, %multiple_of3A_134 : i32
      %scan3A_136 = arith.constant 0 : i32
      %scan3A_137 = arith.constant 125 : i32
      %scan3A_138 = arith.addi %scan3A_136, %scan3A_137 : i32
      %scan3A_139 = arith.constant 1 : i32
      %scan3A_140:17 = scf.for %scan3A_171 = %scan3A_136 to %scan3A_138 step %scan3A_139 iter_args(%scan3A_172 = %scan3A_83, %scan3A_173 = %scan3A_84, %scan3A_174 = %scan3A_85, %scan3A_175 = %scan3A_86, %scan3A_176 = %scan3A_87, %scan3A_177 = %scan3A_88, %scan3A_178 = %scan3A_89, %scan3A_179 = %scan3A_90, %scan3A_180 = %scan3A_91, %scan3A_181 = %scan3A_92, %scan3A_182 = %scan3A_93, %scan3A_183 = %scan3A_94, %scan3A_184 = %scan3A_95, %scan3A_185 = %scan3A_96, %scan3A_186 = %scan3A_97, %scan3A_187 = %scan3A_98, %scan3A_188 = %scan3A_99) -> (i32, vector<16xf32>, vector<16xf32>, vector<16xf32>, vector<16xf32>, vector<16xf32>, vector<16xf32>, vector<16xf32>, vector<16xf32>, vector<16xf32>, vector<16xf32>, vector<16xf32>, vector<16xf32>, vector<16xf32>, vector<16xf32>, vector<16xf32>, vector<16xf32>)  : i32 {
        %add3A_189 = arith.addi %mul3A_102, %sub3A_135 : i32
        %add3A_190 = arith.addi %add3A_189, %scan3A_171 : i32
        %get3A = arith.index_cast %add3A_190 : i32 to index
        %get3A_191 = tpu.vector_load %arg8[%get3A] {strides = array<i32>} : memref<512xi32, #tpu.memory_space<vmem>>, vector<16xi32>,
        %slice3A = vector.extract_strided_slice %get3A_191 {offsets = [0], sizes = [1], strides = [1]} : vector<16xi32> to vector<1xi32>
        %squeeze3A = vector.extract %slice3A[0] : i32 from vector<1xi32>
        %ne3A = arith.cmpi ne, %squeeze3A, %scan3A_172 : i32
        %convert_element_type3A_192 = arith.extui %ne3A : i1 to i32
        %cond3A_193 = arith.constant 0 : i32
        %cond3A_194 = arith.cmpi ne, %convert_element_type3A_192, %cond3A_193 : i32
        %cond3A_195:17 = scf.if %cond3A_194 -> (i32, vector<16xf32>, vector<16xf32>, vector<16xf32>, vector<16xf32>, vector<16xf32>, vector<16xf32>, vector<16xf32>, vector<16xf32>, vector<16xf32>, vector<16xf32>, vector<16xf32>, vector<16xf32>, vector<16xf32>, vector<16xf32>, vector<16xf32>, vector<16xf32>) {
          %get3A_280 = arith.index_cast %squeeze3A : i32 to index
          %get3A_281 = arith.constant 0 : index
          %get3A_282 = tpu.vector_load %arg9[%get3A_280, %get3A_281] {strides = array<i32>} : memref<128x128xf32, #tpu.memory_space<vmem>>, vector<16xf32>,
          %get3A_283 = arith.index_cast %squeeze3A : i32 to index
          %get3A_284 = arith.constant 16 : index
          %get3A_285 = tpu.vector_load %arg9[%get3A_283, %get3A_284] {strides = array<i32>} : memref<128x128xf32, #tpu.memory_space<vmem>>, vector<16xf32>,
          %get3A_286 = arith.index_cast %squeeze3A : i32 to index
          %get3A_287 = arith.constant 32 : index
          %get3A_288 = tpu.vector_load %arg9[%get3A_286, %get3A_287] {strides = array<i32>} : memref<128x128xf32, #tpu.memory_space<vmem>>, vector<16xf32>,
          %get3A_289 = arith.index_cast %squeeze3A : i32 to index
          %get3A_290 = arith.constant 48 : index
          %get3A_291 = tpu.vector_load %arg9[%get3A_289, %get3A_290] {strides = array<i32>} : memref<128x128xf32, #tpu.memory_space<vmem>>, vector<16xf32>,
          %get3A_292 = arith.index_cast %squeeze3A : i32 to index
          %get3A_293 = arith.constant 64 : index
          %get3A_294 = tpu.vector_load %arg9[%get3A_292, %get3A_293] {strides = array<i32>} : memref<128x128xf32, #tpu.memory_space<vmem>>, vector<16xf32>,
          %get3A_295 = arith.index_cast %squeeze3A : i32 to index
          %get3A_296 = arith.constant 80 : index
          %get3A_297 = tpu.vector_load %arg9[%get3A_295, %get3A_296] {strides = array<i32>} : memref<128x128xf32, #tpu.memory_space<vmem>>, vector<16xf32>,
          %get3A_298 = arith.index_cast %squeeze3A : i32 to index
          %get3A_299 = arith.constant 96 : index
          %get3A_300 = tpu.vector_load %arg9[%get3A_298, %get3A_299] {strides = array<i32>} : memref<128x128xf32, #tpu.memory_space<vmem>>, vector<16xf32>,
          %get3A_301 = arith.index_cast %squeeze3A : i32 to index
          %get3A_302 = arith.constant 112 : index
          %get3A_303 = tpu.vector_load %arg9[%get3A_301, %get3A_302] {strides = array<i32>} : memref<128x128xf32, #tpu.memory_space<vmem>>, vector<16xf32>,
          %get3A_304 = arith.index_cast %squeeze3A : i32 to index
          %get3A_305 = arith.constant 0 : index
          %get3A_306 = tpu.vector_load %arg10[%get3A_304, %get3A_305] {strides = array<i32>} : memref<128x128xf32, #tpu.memory_space<vmem>>, vector<16xf32>,
          %get3A_307 = arith.index_cast %squeeze3A : i32 to index
          %get3A_308 = arith.constant 16 : index
          %get3A_309 = tpu.vector_load %arg10[%get3A_307, %get3A_308] {strides = array<i32>} : memref<128x128xf32, #tpu.memory_space<vmem>>, vector<16xf32>,
          %get3A_310 = arith.index_cast %squeeze3A : i32 to index
          %get3A_311 = arith.constant 32 : index
          %get3A_312 = tpu.vector_load %arg10[%get3A_310, %get3A_311] {strides = array<i32>} : memref<128x128xf32, #tpu.memory_space<vmem>>, vector<16xf32>,
          %get3A_313 = arith.index_cast %squeeze3A : i32 to index
          %get3A_314 = arith.constant 48 : index
          %get3A_315 = tpu.vector_load %arg10[%get3A_313, %get3A_314] {strides = array<i32>} : memref<128x128xf32, #tpu.memory_space<vmem>>, vector<16xf32>,
          %get3A_316 = arith.index_cast %squeeze3A : i32 to index
          %get3A_317 = arith.constant 64 : index
          %get3A_318 = tpu.vector_load %arg10[%get3A_316, %get3A_317] {strides = array<i32>} : memref<128x128xf32, #tpu.memory_space<vmem>>, vector<16xf32>,
          %get3A_319 = arith.index_cast %squeeze3A : i32 to index
          %get3A_320 = arith.constant 80 : index
          %get3A_321 = tpu.vector_load %arg10[%get3A_319, %get3A_320] {strides = array<i32>} : memref<128x128xf32, #tpu.memory_space<vmem>>, vector<16xf32>,
          %get3A_322 = arith.index_cast %squeeze3A : i32 to index
          %get3A_323 = arith.constant 96 : index
          %get3A_324 = tpu.vector_load %arg10[%get3A_322, %get3A_323] {strides = array<i32>} : memref<128x128xf32, #tpu.memory_space<vmem>>, vector<16xf32>,
          %get3A_325 = arith.index_cast %squeeze3A : i32 to index
          %get3A_326 = arith.constant 112 : index
          %get3A_327 = tpu.vector_load %arg10[%get3A_325, %get3A_326] {strides = array<i32>} : memref<128x128xf32, #tpu.memory_space<vmem>>, vector<16xf32>,
          scf.yield %squeeze3A, %get3A_282, %get3A_285, %get3A_288, %get3A_291, %get3A_294, %get3A_297, %get3A_300, %get3A_303, %get3A_306, %get3A_309, %get3A_312, %get3A_315, %get3A_318, %get3A_321, %get3A_324, %get3A_327 : i32, vector<16xf32>, vector<16xf32>, vector<16xf32>, vector<16xf32>, vector<16xf32>, vector<16xf32>, vector<16xf32>, vector<16xf32>, vector<16xf32>, vector<16xf32>, vector<16xf32>, vector<16xf32>, vector<16xf32>, vector<16xf32>, vector<16xf32>, vector<16xf32>
        } else {
          scf.yield %scan3A_172, %scan3A_173, %scan3A_174, %scan3A_175, %scan3A_176, %scan3A_177, %scan3A_178, %scan3A_179, %scan3A_180, %scan3A_181, %scan3A_182, %scan3A_183, %scan3A_184, %scan3A_185, %scan3A_186, %scan3A_187, %scan3A_188 : i32, vector<16xf32>, vector<16xf32>, vector<16xf32>, vector<16xf32>, vector<16xf32>, vector<16xf32>, vector<16xf32>, vector<16xf32>, vector<16xf32>, vector<16xf32>, vector<16xf32>, vector<16xf32>, vector<16xf32>, vector<16xf32>, vector<16xf32>, vector<16xf32>
        }
        %mul3A_196 = arith.constant 16000 : i32
        %mul3A_197 = arith.muli %and3A_100, %mul3A_196 : i32
        %mul3A_198 = arith.constant 128 : i32
        %mul3A_199 = arith.muli %scan3A_171, %mul3A_198 : i32
        %add3A_200 = arith.addi %mul3A_197, %mul3A_199 : i32
        %add3A_201 = arith.constant 0 : i32
        %add3A_202 = arith.addi %add3A_200, %add3A_201 : i32
        %get3A_203 = arith.index_cast %add3A_202 : i32 to index
        %get3A_204 = tpu.vector_load %arg7[%get3A_203] {strides = array<i32>} : memref<32000xf32, #tpu.memory_space<vmem>>, vector<16xf32>,
        %mul3A_205 = arith.mulf %get3A_204, %cond3A_195#1 : vector<16xf32>
        %add3A_206 = arith.addf %mul3A_205, %cond3A_195#9 : vector<16xf32>
        %add3A_207 = arith.constant 0 : i32
        %add3A_208 = arith.addi %add3A_200, %add3A_207 : i32
        %swap3A = arith.index_cast %add3A_208 : i32 to index
        %swap3A_209 = tpu.vector_load %arg11[%swap3A] {strides = array<i32>} : memref<32000xf32, #tpu.memory_space<vmem>>, vector<16xf32>,
        tpu.vector_store %arg11[%swap3A], %add3A_206 {strides = array<i32>} : memref<32000xf32, #tpu.memory_space<vmem>>, vector<16xf32>,
        %add3A_210 = arith.constant 16 : i32
        %add3A_211 = arith.addi %add3A_200, %add3A_210 : i32
        %get3A_212 = arith.index_cast %add3A_211 : i32 to index
        %get3A_213 = tpu.vector_load %arg7[%get3A_212] {strides = array<i32>} : memref<32000xf32, #tpu.memory_space<vmem>>, vector<16xf32>,
        %mul3A_214 = arith.mulf %get3A_213, %cond3A_195#2 : vector<16xf32>
        %add3A_215 = arith.addf %mul3A_214, %cond3A_195#10 : vector<16xf32>
        %add3A_216 = arith.constant 16 : i32
        %add3A_217 = arith.addi %add3A_200, %add3A_216 : i32
        %swap3A_218 = arith.index_cast %add3A_217 : i32 to index
        %swap3A_219 = tpu.vector_load %arg11[%swap3A_218] {strides = array<i32>} : memref<32000xf32, #tpu.memory_space<vmem>>, vector<16xf32>,
        tpu.vector_store %arg11[%swap3A_218], %add3A_215 {strides = array<i32>} : memref<32000xf32, #tpu.memory_space<vmem>>, vector<16xf32>,
        %add3A_220 = arith.constant 32 : i32
        %add3A_221 = arith.addi %add3A_200, %add3A_220 : i32
        %get3A_222 = arith.index_cast %add3A_221 : i32 to index
        %get3A_223 = tpu.vector_load %arg7[%get3A_222] {strides = array<i32>} : memref<32000xf32, #tpu.memory_space<vmem>>, vector<16xf32>,
        %mul3A_224 = arith.mulf %get3A_223, %cond3A_195#3 : vector<16xf32>
        %add3A_225 = arith.addf %mul3A_224, %cond3A_195#11 : vector<16xf32>
        %add3A_226 = arith.constant 32 : i32
        %add3A_227 = arith.addi %add3A_200, %add3A_226 : i32
        %swap3A_228 = arith.index_cast %add3A_227 : i32 to index
        %swap3A_229 = tpu.vector_load %arg11[%swap3A_228] {strides = array<i32>} : memref<32000xf32, #tpu.memory_space<vmem>>, vector<16xf32>,
        tpu.vector_store %arg11[%swap3A_228], %add3A_225 {strides = array<i32>} : memref<32000xf32, #tpu.memory_space<vmem>>, vector<16xf32>,
        %add3A_230 = arith.constant 48 : i32
        %add3A_231 = arith.addi %add3A_200, %add3A_230 : i32
        %get3A_232 = arith.index_cast %add3A_231 : i32 to index
        %get3A_233 = tpu.vector_load %arg7[%get3A_232] {strides = array<i32>} : memref<32000xf32, #tpu.memory_space<vmem>>, vector<16xf32>,
        %mul3A_234 = arith.mulf %get3A_233, %cond3A_195#4 : vector<16xf32>
        %add3A_235 = arith.addf %mul3A_234, %cond3A_195#12 : vector<16xf32>
        %add3A_236 = arith.constant 48 : i32
        %add3A_237 = arith.addi %add3A_200, %add3A_236 : i32
        %swap3A_238 = arith.index_cast %add3A_237 : i32 to index
        %swap3A_239 = tpu.vector_load %arg11[%swap3A_238] {strides = array<i32>} : memref<32000xf32, #tpu.memory_space<vmem>>, vector<16xf32>,
        tpu.vector_store %arg11[%swap3A_238], %add3A_235 {strides = array<i32>} : memref<32000xf32, #tpu.memory_space<vmem>>, vector<16xf32>,
        %add3A_240 = arith.constant 64 : i32
        %add3A_241 = arith.addi %add3A_200, %add3A_240 : i32
        %get3A_242 = arith.index_cast %add3A_241 : i32 to index
        %get3A_243 = tpu.vector_load %arg7[%get3A_242] {strides = array<i32>} : memref<32000xf32, #tpu.memory_space<vmem>>, vector<16xf32>,
        %mul3A_244 = arith.mulf %get3A_243, %cond3A_195#5 : vector<16xf32>
        %add3A_245 = arith.addf %mul3A_244, %cond3A_195#13 : vector<16xf32>
        %add3A_246 = arith.constant 64 : i32
        %add3A_247 = arith.addi %add3A_200, %add3A_246 : i32
        %swap3A_248 = arith.index_cast %add3A_247 : i32 to index
        %swap3A_249 = tpu.vector_load %arg11[%swap3A_248] {strides = array<i32>} : memref<32000xf32, #tpu.memory_space<vmem>>, vector<16xf32>,
        tpu.vector_store %arg11[%swap3A_248], %add3A_245 {strides = array<i32>} : memref<32000xf32, #tpu.memory_space<vmem>>, vector<16xf32>,
        %add3A_250 = arith.constant 80 : i32
        %add3A_251 = arith.addi %add3A_200, %add3A_250 : i32
        %get3A_252 = arith.index_cast %add3A_251 : i32 to index
        %get3A_253 = tpu.vector_load %arg7[%get3A_252] {strides = array<i32>} : memref<32000xf32, #tpu.memory_space<vmem>>, vector<16xf32>,
        %mul3A_254 = arith.mulf %get3A_253, %cond3A_195#6 : vector<16xf32>
        %add3A_255 = arith.addf %mul3A_254, %cond3A_195#14 : vector<16xf32>
        %add3A_256 = arith.constant 80 : i32
        %add3A_257 = arith.addi %add3A_200, %add3A_256 : i32
        %swap3A_258 = arith.index_cast %add3A_257 : i32 to index
        %swap3A_259 = tpu.vector_load %arg11[%swap3A_258] {strides = array<i32>} : memref<32000xf32, #tpu.memory_space<vmem>>, vector<16xf32>,
        tpu.vector_store %arg11[%swap3A_258], %add3A_255 {strides = array<i32>} : memref<32000xf32, #tpu.memory_space<vmem>>, vector<16xf32>,
        %add3A_260 = arith.constant 96 : i32
        %add3A_261 = arith.addi %add3A_200, %add3A_260 : i32
        %get3A_262 = arith.index_cast %add3A_261 : i32 to index
        %get3A_263 = tpu.vector_load %arg7[%get3A_262] {strides = array<i32>} : memref<32000xf32, #tpu.memory_space<vmem>>, vector<16xf32>,
        %mul3A_264 = arith.mulf %get3A_263, %cond3A_195#7 : vector<16xf32>
        %add3A_265 = arith.addf %mul3A_264, %cond3A_195#15 : vector<16xf32>
        %add3A_266 = arith.constant 96 : i32
        %add3A_267 = arith.addi %add3A_200, %add3A_266 : i32
        %swap3A_268 = arith.index_cast %add3A_267 : i32 to index
        %swap3A_269 = tpu.vector_load %arg11[%swap3A_268] {strides = array<i32>} : memref<32000xf32, #tpu.memory_space<vmem>>, vector<16xf32>,
        tpu.vector_store %arg11[%swap3A_268], %add3A_265 {strides = array<i32>} : memref<32000xf32, #tpu.memory_space<vmem>>, vector<16xf32>,
        %add3A_270 = arith.constant 112 : i32
        %add3A_271 = arith.addi %add3A_200, %add3A_270 : i32
        %get3A_272 = arith.index_cast %add3A_271 : i32 to index
        %get3A_273 = tpu.vector_load %arg7[%get3A_272] {strides = array<i32>} : memref<32000xf32, #tpu.memory_space<vmem>>, vector<16xf32>,
        %mul3A_274 = arith.mulf %get3A_273, %cond3A_195#8 : vector<16xf32>
        %add3A_275 = arith.addf %mul3A_274, %cond3A_195#16 : vector<16xf32>
        %add3A_276 = arith.constant 112 : i32
        %add3A_277 = arith.addi %add3A_200, %add3A_276 : i32
        %swap3A_278 = arith.index_cast %add3A_277 : i32 to index
        %swap3A_279 = tpu.vector_load %arg11[%swap3A_278] {strides = array<i32>} : memref<32000xf32, #tpu.memory_space<vmem>>, vector<16xf32>,
        tpu.vector_store %arg11[%swap3A_278], %add3A_275 {strides = array<i32>} : memref<32000xf32, #tpu.memory_space<vmem>>, vector<16xf32>,
        scf.yield %cond3A_195#0, %cond3A_195#1, %cond3A_195#2, %cond3A_195#3, %cond3A_195#4, %cond3A_195#5, %cond3A_195#6, %cond3A_195#7, %cond3A_195#8, %cond3A_195#9, %cond3A_195#10, %cond3A_195#11, %cond3A_195#12, %cond3A_195#13, %cond3A_195#14, %cond3A_195#15, %cond3A_195#16 : i32, vector<16xf32>, vector<16xf32>, vector<16xf32>, vector<16xf32>, vector<16xf32>, vector<16xf32>, vector<16xf32>, vector<16xf32>, vector<16xf32>, vector<16xf32>, vector<16xf32>, vector<16xf32>, vector<16xf32>, vector<16xf32>, vector<16xf32>, vector<16xf32>
      }
      %scan3A_141 = arith.constant 125 : i32
      %eq3A_142 = arith.constant 0 : i32
      %eq3A_143 = arith.cmpi eq, %and3A_100, %eq3A_142 : i32
      %convert_element_type3A_144 = arith.extui %eq3A_143 : i1 to i32
      %cond3A_145 = arith.constant 0 : i32
      %cond3A_146 = arith.cmpi ne, %convert_element_type3A_144, %cond3A_145 : i32
      scf.if %cond3A_146 {
        %mul3A_171 = arith.constant 25 : i32
        %mul3A_172 = arith.muli %add3A, %mul3A_171 : i32
        %add3A_173 = arith.addi %mul3A_172, %scan3A_82 : i32
        %mul3A_174 = arith.constant 125 : i32
        %mul3A_175 = arith.muli %add3A_173, %mul3A_174 : i32
        %mul3A_176 = arith.constant 128 : i32
        %mul3A_177 = arith.muli %mul3A_175, %mul3A_176 : i32
        %dma_start3A_178 = arith.constant 0 : i32
        %dma_start3A_179 = tpu.memref_slice %arg11[%dma_start3A_178] : memref<32000xf32, #tpu.memory_space<vmem>> -> memref<16000xf32, #tpu.memory_space<vmem>>
        %dma_start3A_180 = tpu.memref_slice %arg6[%mul3A_177] : memref<12800000xf32, #tpu.memory_space<hbm>> -> memref<16000xf32, #tpu.memory_space<hbm>>
        %dma_start3A_181 = tpu.memref_slice %arg6[%mul3A_177] : memref<12800000xf32, #tpu.memory_space<hbm>> -> memref<16000xf32, #tpu.memory_space<hbm>>
        %dma_start3A_182 = arith.constant 0 : i32
        %dma_start3A_183 = tpu.memref_slice %arg11[%dma_start3A_182] : memref<32000xf32, #tpu.memory_space<vmem>> -> memref<16000xf32, #tpu.memory_space<vmem>>
        tpu.enqueue_dma source(%dma_start3A_183 : memref<16000xf32, #tpu.memory_space<vmem>>) target(%dma_start3A_181 : memref<16000xf32, #tpu.memory_space<hbm>>) target_semaphore(%arg14 : memref<!tpu.dma_semaphore, #tpu.memory_space<semaphore_mem>>)
      } else {
      }
      %eq3A_147 = arith.constant 1 : i32
      %eq3A_148 = arith.cmpi eq, %and3A_100, %eq3A_147 : i32
      %convert_element_type3A_149 = arith.extui %eq3A_148 : i1 to i32
      %cond3A_150 = arith.constant 0 : i32
      %cond3A_151 = arith.cmpi ne, %convert_element_type3A_149, %cond3A_150 : i32
      scf.if %cond3A_151 {
        %mul3A_171 = arith.constant 25 : i32
        %mul3A_172 = arith.muli %add3A, %mul3A_171 : i32
        %add3A_173 = arith.addi %mul3A_172, %scan3A_82 : i32
        %mul3A_174 = arith.constant 125 : i32
        %mul3A_175 = arith.muli %add3A_173, %mul3A_174 : i32
        %mul3A_176 = arith.constant 128 : i32
        %mul3A_177 = arith.muli %mul3A_175, %mul3A_176 : i32
        %dma_start3A_178 = arith.constant 16000 : i32
        %dma_start3A_179 = tpu.memref_slice %arg11[%dma_start3A_178] : memref<32000xf32, #tpu.memory_space<vmem>> -> memref<16000xf32, #tpu.memory_space<vmem>>
        %dma_start3A_180 = tpu.memref_slice %arg6[%mul3A_177] : memref<12800000xf32, #tpu.memory_space<hbm>> -> memref<16000xf32, #tpu.memory_space<hbm>>
        %dma_start3A_181 = tpu.memref_slice %arg6[%mul3A_177] : memref<12800000xf32, #tpu.memory_space<hbm>> -> memref<16000xf32, #tpu.memory_space<hbm>>
        %dma_start3A_182 = arith.constant 16000 : i32
        %dma_start3A_183 = tpu.memref_slice %arg11[%dma_start3A_182] : memref<32000xf32, #tpu.memory_space<vmem>> -> memref<16000xf32, #tpu.memory_space<vmem>>
        tpu.enqueue_dma source(%dma_start3A_183 : memref<16000xf32, #tpu.memory_space<vmem>>) target(%dma_start3A_181 : memref<16000xf32, #tpu.memory_space<hbm>>) target_semaphore(%arg15 : memref<!tpu.dma_semaphore, #tpu.memory_space<semaphore_mem>>)
      } else {
      }
      %eq3A_152 = arith.constant 0 : i32
      %eq3A_153 = arith.cmpi eq, %and3A_100, %eq3A_152 : i32
      %add3A_154 = arith.constant 2 : i32
      %add3A_155 = arith.addi %scan3A_82, %add3A_154 : i32
      %lt3A = arith.constant 25 : i32
      %lt3A_156 = arith.cmpi slt, %add3A_155, %lt3A : i32
      %and3A_157 = arith.andi %eq3A_153, %lt3A_156 : i1
      %convert_element_type3A_158 = arith.extui %and3A_157 : i1 to i32
      %cond3A_159 = arith.constant 0 : i32
      %cond3A_160 = arith.cmpi ne, %convert_element_type3A_158, %cond3A_159 : i32
      scf.if %cond3A_160 {
        %add3A_171 = arith.constant 2 : i32
        %add3A_172 = arith.addi %scan3A_82, %add3A_171 : i32
        %mul3A_173 = arith.constant 25 : i32
        %mul3A_174 = arith.muli %add3A, %mul3A_173 : i32
        %add3A_175 = arith.addi %mul3A_174, %add3A_172 : i32
        %mul3A_176 = arith.constant 125 : i32
        %mul3A_177 = arith.muli %add3A_175, %mul3A_176 : i32
        %shift_right_arithmetic3A_178 = arith.constant 3 : i32
        %shift_right_arithmetic3A_179 = arith.shrsi %mul3A_177, %shift_right_arithmetic3A_178 : i32
        %shift_left3A_180 = arith.constant 3 : i32
        %shift_left3A_181 = arith.shli %shift_right_arithmetic3A_179, %shift_left3A_180 : i32
        %multiple_of3A_182 = tpu.assume_multiple %shift_left3A_181, 8 : i32
        %sub3A_183 = arith.subi %mul3A_177, %multiple_of3A_182 : i32
        %mul3A_184 = arith.constant 128 : i32
        %mul3A_185 = arith.muli %mul3A_177, %mul3A_184 : i32
        %dma_start3A_186 = arith.constant 0 : i32
        %dma_start3A_187 = tpu.memref_slice %arg7[%dma_start3A_186] : memref<32000xf32, #tpu.memory_space<vmem>> -> memref<16000xf32, #tpu.memory_space<vmem>>
        %dma_start3A_188 = tpu.memref_slice %arg2[%mul3A_185] : memref<12800000xf32, #tpu.memory_space<hbm>> -> memref<16000xf32, #tpu.memory_space<hbm>>
        %dma_start3A_189 = arith.constant 0 : i32
        %dma_start3A_190 = tpu.memref_slice %arg7[%dma_start3A_189] : memref<32000xf32, #tpu.memory_space<vmem>> -> memref<16000xf32, #tpu.memory_space<vmem>>
        %dma_start3A_191 = tpu.memref_slice %arg2[%mul3A_185] : memref<12800000xf32, #tpu.memory_space<hbm>> -> memref<16000xf32, #tpu.memory_space<hbm>>
        tpu.enqueue_dma source(%dma_start3A_191 : memref<16000xf32, #tpu.memory_space<hbm>>) target(%dma_start3A_190 : memref<16000xf32, #tpu.memory_space<vmem>>) target_semaphore(%arg12 : memref<!tpu.dma_semaphore, #tpu.memory_space<semaphore_mem>>)
        %dma_start3A_192 = arith.constant 0 : i32
        %dma_start3A_193 = tpu.memref_slice %arg8[%dma_start3A_192] : memref<512xi32, #tpu.memory_space<vmem>> -> memref<256xi32, #tpu.memory_space<vmem>>
        %dma_start3A_194 = tpu.memref_slice %arg3[%multiple_of3A_182] : memref<100128xi32, #tpu.memory_space<hbm>> -> memref<256xi32, #tpu.memory_space<hbm>>
        %dma_start3A_195 = arith.constant 0 : i32
        %dma_start3A_196 = tpu.memref_slice %arg8[%dma_start3A_195] : memref<512xi32, #tpu.memory_space<vmem>> -> memref<256xi32, #tpu.memory_space<vmem>>
        %dma_start3A_197 = tpu.memref_slice %arg3[%multiple_of3A_182] : memref<100128xi32, #tpu.memory_space<hbm>> -> memref<256xi32, #tpu.memory_space<hbm>>
        tpu.enqueue_dma source(%dma_start3A_197 : memref<256xi32, #tpu.memory_space<hbm>>) target(%dma_start3A_196 : memref<256xi32, #tpu.memory_space<vmem>>) target_semaphore(%arg12 : memref<!tpu.dma_semaphore, #tpu.memory_space<semaphore_mem>>)
      } else {
      }
      %eq3A_161 = arith.constant 1 : i32
      %eq3A_162 = arith.cmpi eq, %and3A_100, %eq3A_161 : i32
      %add3A_163 = arith.constant 2 : i32
      %add3A_164 = arith.addi %scan3A_82, %add3A_163 : i32
      %lt3A_165 = arith.constant 25 : i32
      %lt3A_166 = arith.cmpi slt, %add3A_164, %lt3A_165 : i32
      %and3A_167 = arith.andi %eq3A_162, %lt3A_166 : i1
      %convert_element_type3A_168 = arith.extui %and3A_167 : i1 to i32
      %cond3A_169 = arith.constant 0 : i32
      %cond3A_170 = arith.cmpi ne, %convert_element_type3A_168, %cond3A_169 : i32
      scf.if %cond3A_170 {
        %add3A_171 = arith.constant 2 : i32
        %add3A_172 = arith.addi %scan3A_82, %add3A_171 : i32
        %mul3A_173 = arith.constant 25 : i32
        %mul3A_174 = arith.muli %add3A, %mul3A_173 : i32
        %add3A_175 = arith.addi %mul3A_174, %add3A_172 : i32
        %mul3A_176 = arith.constant 125 : i32
        %mul3A_177 = arith.muli %add3A_175, %mul3A_176 : i32
        %shift_right_arithmetic3A_178 = arith.constant 3 : i32
        %shift_right_arithmetic3A_179 = arith.shrsi %mul3A_177, %shift_right_arithmetic3A_178 : i32
        %shift_left3A_180 = arith.constant 3 : i32
        %shift_left3A_181 = arith.shli %shift_right_arithmetic3A_179, %shift_left3A_180 : i32
        %multiple_of3A_182 = tpu.assume_multiple %shift_left3A_181, 8 : i32
        %sub3A_183 = arith.subi %mul3A_177, %multiple_of3A_182 : i32
        %mul3A_184 = arith.constant 128 : i32
        %mul3A_185 = arith.muli %mul3A_177, %mul3A_184 : i32
        %dma_start3A_186 = arith.constant 16000 : i32
        %dma_start3A_187 = tpu.memref_slice %arg7[%dma_start3A_186] : memref<32000xf32, #tpu.memory_space<vmem>> -> memref<16000xf32, #tpu.memory_space<vmem>>
        %dma_start3A_188 = tpu.memref_slice %arg2[%mul3A_185] : memref<12800000xf32, #tpu.memory_space<hbm>> -> memref<16000xf32, #tpu.memory_space<hbm>>
        %dma_start3A_189 = arith.constant 16000 : i32
        %dma_start3A_190 = tpu.memref_slice %arg7[%dma_start3A_189] : memref<32000xf32, #tpu.memory_space<vmem>> -> memref<16000xf32, #tpu.memory_space<vmem>>
        %dma_start3A_191 = tpu.memref_slice %arg2[%mul3A_185] : memref<12800000xf32, #tpu.memory_space<hbm>> -> memref<16000xf32, #tpu.memory_space<hbm>>
        tpu.enqueue_dma source(%dma_start3A_191 : memref<16000xf32, #tpu.memory_space<hbm>>) target(%dma_start3A_190 : memref<16000xf32, #tpu.memory_space<vmem>>) target_semaphore(%arg13 : memref<!tpu.dma_semaphore, #tpu.memory_space<semaphore_mem>>)
        %dma_start3A_192 = arith.constant 256 : i32
        %dma_start3A_193 = tpu.memref_slice %arg8[%dma_start3A_192] : memref<512xi32, #tpu.memory_space<vmem>> -> memref<256xi32, #tpu.memory_space<vmem>>
        %dma_start3A_194 = tpu.memref_slice %arg3[%multiple_of3A_182] : memref<100128xi32, #tpu.memory_space<hbm>> -> memref<256xi32, #tpu.memory_space<hbm>>
        %dma_start3A_195 = arith.constant 256 : i32
        %dma_start3A_196 = tpu.memref_slice %arg8[%dma_start3A_195] : memref<512xi32, #tpu.memory_space<vmem>> -> memref<256xi32, #tpu.memory_space<vmem>>
        %dma_start3A_197 = tpu.memref_slice %arg3[%multiple_of3A_182] : memref<100128xi32, #tpu.memory_space<hbm>> -> memref<256xi32, #tpu.memory_space<hbm>>
        tpu.enqueue_dma source(%dma_start3A_197 : memref<256xi32, #tpu.memory_space<hbm>>) target(%dma_start3A_196 : memref<256xi32, #tpu.memory_space<vmem>>) target_semaphore(%arg13 : memref<!tpu.dma_semaphore, #tpu.memory_space<semaphore_mem>>)
      } else {
      }
      scf.yield %scan3A_140#0, %scan3A_140#1, %scan3A_140#2, %scan3A_140#3, %scan3A_140#4, %scan3A_140#5, %scan3A_140#6, %scan3A_140#7, %scan3A_140#8, %scan3A_140#9, %scan3A_140#10, %scan3A_140#11, %scan3A_140#12, %scan3A_140#13, %scan3A_140#14, %scan3A_140#15, %scan3A_140#16 : i32, vector<16xf32>, vector<16xf32>, vector<16xf32>, vector<16xf32>, vector<16xf32>, vector<16xf32>, vector<16xf32>, vector<16xf32>, vector<16xf32>, vector<16xf32>, vector<16xf32>, vector<16xf32>, vector<16xf32>, vector<16xf32>, vector<16xf32>, vector<16xf32>
    }
    %scan3A_54 = arith.constant 25 : i32
    %mul3A_55 = arith.constant 25 : i32
    %mul3A_56 = arith.muli %add3A, %mul3A_55 : i32
    %add3A_57 = arith.constant 23 : i32
    %add3A_58 = arith.addi %mul3A_56, %add3A_57 : i32
    %mul3A_59 = arith.constant 125 : i32
    %mul3A_60 = arith.muli %add3A_58, %mul3A_59 : i32
    %mul3A_61 = arith.constant 128 : i32
    %mul3A_62 = arith.muli %mul3A_60, %mul3A_61 : i32
    %dma_wait3A = arith.constant 16000 : i32
    %dma_wait3A_63 = tpu.memref_slice %arg11[%dma_wait3A] : memref<32000xf32, #tpu.memory_space<vmem>> -> memref<16000xf32, #tpu.memory_space<vmem>>
    %dma_wait3A_64 = tpu.memref_slice %arg6[%mul3A_62] : memref<12800000xf32, #tpu.memory_space<hbm>> -> memref<16000xf32, #tpu.memory_space<hbm>>
    %dma_wait3A_65 = tpu.memref_slice %arg6[%mul3A_62] : memref<12800000xf32, #tpu.memory_space<hbm>> -> memref<16000xf32, #tpu.memory_space<hbm>>
    %dma_wait3A_66 = arith.constant 16000 : i32
    %dma_wait3A_67 = tpu.memref_slice %arg11[%dma_wait3A_66] : memref<32000xf32, #tpu.memory_space<vmem>> -> memref<16000xf32, #tpu.memory_space<vmem>>
    tpu.wait_dma2 semaphore(%arg15 : memref<!tpu.dma_semaphore, #tpu.memory_space<semaphore_mem>>) src(%dma_wait3A_67 : memref<16000xf32, #tpu.memory_space<vmem>>) dst(%dma_wait3A_65 : memref<16000xf32, #tpu.memory_space<hbm>>)
    %mul3A_68 = arith.constant 25 : i32
    %mul3A_69 = arith.muli %add3A, %mul3A_68 : i32
    %add3A_70 = arith.constant 24 : i32
    %add3A_71 = arith.addi %mul3A_69, %add3A_70 : i32
    %mul3A_72 = arith.constant 125 : i32
    %mul3A_73 = arith.muli %add3A_71, %mul3A_72 : i32
    %mul3A_74 = arith.constant 128 : i32
    %mul3A_75 = arith.muli %mul3A_73, %mul3A_74 : i32
    %dma_wait3A_76 = arith.constant 0 : i32
    %dma_wait3A_77 = tpu.memref_slice %arg11[%dma_wait3A_76] : memref<32000xf32, #tpu.memory_space<vmem>> -> memref<16000xf32, #tpu.memory_space<vmem>>
    %dma_wait3A_78 = tpu.memref_slice %arg6[%mul3A_75] : memref<12800000xf32, #tpu.memory_space<hbm>> -> memref<16000xf32, #tpu.memory_space<hbm>>
    %dma_wait3A_79 = tpu.memref_slice %arg6[%mul3A_75] : memref<12800000xf32, #tpu.memory_space<hbm>> -> memref<16000xf32, #tpu.memory_space<hbm>>
    %dma_wait3A_80 = arith.constant 0 : i32
    %dma_wait3A_81 = tpu.memref_slice %arg11[%dma_wait3A_80] : memref<32000xf32, #tpu.memory_space<vmem>> -> memref<16000xf32, #tpu.memory_space<vmem>>
    tpu.wait_dma2 semaphore(%arg14 : memref<!tpu.dma_semaphore, #tpu.memory_space<semaphore_mem>>) src(%dma_wait3A_81 : memref<16000xf32, #tpu.memory_space<vmem>>) dst(%dma_wait3A_79 : memref<16000xf32, #tpu.memory_space<hbm>>)
    return
  }
}

#map = affine_map<(d0, d1) -> (0)>
#map1 = affine_map<(d0, d1) -> (0, 0, 0)>
module attributes {stable_mosaic.version = 14 : i64} {
  func.func @_stats_body(%arg0: i32, %arg1: i32, %arg2: memref<12800000xf32, #tpu.memory_space<hbm>>, %arg3: memref<100128xi32, #tpu.memory_space<hbm>>, %arg4: memref<32x128x128xf32, #tpu.memory_space<hbm>>, %arg5: memref<32x128x128xf32, #tpu.memory_space<hbm>>, %arg6: memref<32x128x16xf32, #tpu.memory_space<hbm>>, %arg7: memref<32000xf32, #tpu.memory_space<vmem>>, %arg8: memref<512xi32, #tpu.memory_space<vmem>>, %arg9: memref<129x128xf32, #tpu.memory_space<vmem>>, %arg10: memref<129x128xf32, #tpu.memory_space<vmem>>, %arg11: memref<129x16xf32, #tpu.memory_space<vmem>>, %arg12: memref<!tpu.dma_semaphore, #tpu.memory_space<semaphore_mem>>, %arg13: memref<!tpu.dma_semaphore, #tpu.memory_space<semaphore_mem>>) attributes {dimension_semantics = [#tpu.dimension_semantics<core_parallel>, #tpu.dimension_semantics<subcore_parallel>], iteration_bounds = array<i64: 2, 16>, scalar_prefetch = 0 : i64, scratch_operands = 7 : i64, tpu.core_type = #tpu.core_type<sc_vector_subcore>, window_params = [{transform_indices = #map}, {transform_indices = #map}, {transform_indices = #map1}, {transform_indices = #map1}, {transform_indices = #map1}]} {
    %mul3A = arith.constant 16 : i32
    %mul3A_0 = arith.muli %arg0, %mul3A : i32
    %add3A = arith.addi %mul3A_0, %arg1 : i32
    %broadcast_in_dim3A = arith.constant 0.000000e+00 : f32
    %broadcast_in_dim3A_1 = vector.broadcast %broadcast_in_dim3A : f32 to vector<16xf32>
    %scan3A = arith.constant 0 : i32
    %scan3A_2 = arith.constant 0 : i32
    %scan3A_3 = arith.constant 1032 : i32
    %scan3A_4 = arith.addi %scan3A_2, %scan3A_3 : i32
    %scan3A_5 = arith.constant 1 : i32
    %scan3A_6 = scf.for %scan3A_123 = %scan3A_2 to %scan3A_4 step %scan3A_5 iter_args(%scan3A_124 = %scan3A) -> (i32)  : i32 {
      %shift_right_arithmetic3A_125 = arith.constant 3 : i32
      %shift_right_arithmetic3A_126 = arith.shrsi %scan3A_123, %shift_right_arithmetic3A_125 : i32
      %and3A = arith.constant 7 : i32
      %and3A_127 = arith.andi %scan3A_123, %and3A : i32
      %mul3A_128 = arith.constant 16 : i32
      %mul3A_129 = arith.muli %and3A_127, %mul3A_128 : i32
      %swap3A_130 = arith.index_cast %shift_right_arithmetic3A_126 : i32 to index
      %swap3A_131 = arith.index_cast %mul3A_129 : i32 to index
      %swap3A_132 = tpu.vector_load %arg9[%swap3A_130, %swap3A_131] {strides = array<i32>} : memref<129x128xf32, #tpu.memory_space<vmem>>, vector<16xf32>,
      tpu.vector_store %arg9[%swap3A_130, %swap3A_131], %broadcast_in_dim3A_1 {strides = array<i32>} : memref<129x128xf32, #tpu.memory_space<vmem>>, vector<16xf32>,
      %swap3A_133 = arith.index_cast %shift_right_arithmetic3A_126 : i32 to index
      %swap3A_134 = arith.index_cast %mul3A_129 : i32 to index
      %swap3A_135 = tpu.vector_load %arg10[%swap3A_133, %swap3A_134] {strides = array<i32>} : memref<129x128xf32, #tpu.memory_space<vmem>>, vector<16xf32>,
      tpu.vector_store %arg10[%swap3A_133, %swap3A_134], %broadcast_in_dim3A_1 {strides = array<i32>} : memref<129x128xf32, #tpu.memory_space<vmem>>, vector<16xf32>,
      %scan3A_136 = arith.constant 0 : i32
      scf.yield %scan3A_136 : i32
    }
    %scan3A_7 = arith.constant 1032 : i32
    %scan3A_8 = arith.constant 0 : i32
    %scan3A_9 = arith.constant 0 : i32
    %scan3A_10 = arith.constant 129 : i32
    %scan3A_11 = arith.addi %scan3A_9, %scan3A_10 : i32
    %scan3A_12 = arith.constant 1 : i32
    %scan3A_13 = scf.for %scan3A_123 = %scan3A_9 to %scan3A_11 step %scan3A_12 iter_args(%scan3A_124 = %scan3A_8) -> (i32)  : i32 {
      %swap3A_125 = arith.index_cast %scan3A_123 : i32 to index
      %swap3A_126 = arith.constant 0 : index
      %swap3A_127 = tpu.vector_load %arg11[%swap3A_125, %swap3A_126] {strides = array<i32>} : memref<129x16xf32, #tpu.memory_space<vmem>>, vector<16xf32>,
      tpu.vector_store %arg11[%swap3A_125, %swap3A_126], %broadcast_in_dim3A_1 {strides = array<i32>} : memref<129x16xf32, #tpu.memory_space<vmem>>, vector<16xf32>,
      %scan3A_128 = arith.constant 0 : i32
      scf.yield %scan3A_128 : i32
    }
    %scan3A_14 = arith.constant 129 : i32
    %mul3A_15 = arith.constant 25 : i32
    %mul3A_16 = arith.muli %add3A, %mul3A_15 : i32
    %add3A_17 = arith.constant 0 : i32
    %add3A_18 = arith.addi %mul3A_16, %add3A_17 : i32
    %mul3A_19 = arith.constant 125 : i32
    %mul3A_20 = arith.muli %add3A_18, %mul3A_19 : i32
    %shift_right_arithmetic3A = arith.constant 3 : i32
    %shift_right_arithmetic3A_21 = arith.shrsi %mul3A_20, %shift_right_arithmetic3A : i32
    %shift_left3A = arith.constant 3 : i32
    %shift_left3A_22 = arith.shli %shift_right_arithmetic3A_21, %shift_left3A : i32
    %multiple_of3A = tpu.assume_multiple %shift_left3A_22, 8 : i32
    %sub3A = arith.subi %mul3A_20, %multiple_of3A : i32
    %mul3A_23 = arith.constant 128 : i32
    %mul3A_24 = arith.muli %mul3A_20, %mul3A_23 : i32
    %dma_start3A = arith.constant 0 : i32
    %dma_start3A_25 = tpu.memref_slice %arg7[%dma_start3A] : memref<32000xf32, #tpu.memory_space<vmem>> -> memref<16000xf32, #tpu.memory_space<vmem>>
    %dma_start3A_26 = tpu.memref_slice %arg2[%mul3A_24] : memref<12800000xf32, #tpu.memory_space<hbm>> -> memref<16000xf32, #tpu.memory_space<hbm>>
    %dma_start3A_27 = arith.constant 0 : i32
    %dma_start3A_28 = tpu.memref_slice %arg7[%dma_start3A_27] : memref<32000xf32, #tpu.memory_space<vmem>> -> memref<16000xf32, #tpu.memory_space<vmem>>
    %dma_start3A_29 = tpu.memref_slice %arg2[%mul3A_24] : memref<12800000xf32, #tpu.memory_space<hbm>> -> memref<16000xf32, #tpu.memory_space<hbm>>
    tpu.enqueue_dma source(%dma_start3A_29 : memref<16000xf32, #tpu.memory_space<hbm>>) target(%dma_start3A_28 : memref<16000xf32, #tpu.memory_space<vmem>>) target_semaphore(%arg12 : memref<!tpu.dma_semaphore, #tpu.memory_space<semaphore_mem>>)
    %dma_start3A_30 = arith.constant 0 : i32
    %dma_start3A_31 = tpu.memref_slice %arg8[%dma_start3A_30] : memref<512xi32, #tpu.memory_space<vmem>> -> memref<256xi32, #tpu.memory_space<vmem>>
    %dma_start3A_32 = tpu.memref_slice %arg3[%multiple_of3A] : memref<100128xi32, #tpu.memory_space<hbm>> -> memref<256xi32, #tpu.memory_space<hbm>>
    %dma_start3A_33 = arith.constant 0 : i32
    %dma_start3A_34 = tpu.memref_slice %arg8[%dma_start3A_33] : memref<512xi32, #tpu.memory_space<vmem>> -> memref<256xi32, #tpu.memory_space<vmem>>
    %dma_start3A_35 = tpu.memref_slice %arg3[%multiple_of3A] : memref<100128xi32, #tpu.memory_space<hbm>> -> memref<256xi32, #tpu.memory_space<hbm>>
    tpu.enqueue_dma source(%dma_start3A_35 : memref<256xi32, #tpu.memory_space<hbm>>) target(%dma_start3A_34 : memref<256xi32, #tpu.memory_space<vmem>>) target_semaphore(%arg12 : memref<!tpu.dma_semaphore, #tpu.memory_space<semaphore_mem>>)
    %mul3A_36 = arith.constant 25 : i32
    %mul3A_37 = arith.muli %add3A, %mul3A_36 : i32
    %add3A_38 = arith.constant 1 : i32
    %add3A_39 = arith.addi %mul3A_37, %add3A_38 : i32
    %mul3A_40 = arith.constant 125 : i32
    %mul3A_41 = arith.muli %add3A_39, %mul3A_40 : i32
    %shift_right_arithmetic3A_42 = arith.constant 3 : i32
    %shift_right_arithmetic3A_43 = arith.shrsi %mul3A_41, %shift_right_arithmetic3A_42 : i32
    %shift_left3A_44 = arith.constant 3 : i32
    %shift_left3A_45 = arith.shli %shift_right_arithmetic3A_43, %shift_left3A_44 : i32
    %multiple_of3A_46 = tpu.assume_multiple %shift_left3A_45, 8 : i32
    %sub3A_47 = arith.subi %mul3A_41, %multiple_of3A_46 : i32
    %mul3A_48 = arith.constant 128 : i32
    %mul3A_49 = arith.muli %mul3A_41, %mul3A_48 : i32
    %dma_start3A_50 = arith.constant 16000 : i32
    %dma_start3A_51 = tpu.memref_slice %arg7[%dma_start3A_50] : memref<32000xf32, #tpu.memory_space<vmem>> -> memref<16000xf32, #tpu.memory_space<vmem>>
    %dma_start3A_52 = tpu.memref_slice %arg2[%mul3A_49] : memref<12800000xf32, #tpu.memory_space<hbm>> -> memref<16000xf32, #tpu.memory_space<hbm>>
    %dma_start3A_53 = arith.constant 16000 : i32
    %dma_start3A_54 = tpu.memref_slice %arg7[%dma_start3A_53] : memref<32000xf32, #tpu.memory_space<vmem>> -> memref<16000xf32, #tpu.memory_space<vmem>>
    %dma_start3A_55 = tpu.memref_slice %arg2[%mul3A_49] : memref<12800000xf32, #tpu.memory_space<hbm>> -> memref<16000xf32, #tpu.memory_space<hbm>>
    tpu.enqueue_dma source(%dma_start3A_55 : memref<16000xf32, #tpu.memory_space<hbm>>) target(%dma_start3A_54 : memref<16000xf32, #tpu.memory_space<vmem>>) target_semaphore(%arg13 : memref<!tpu.dma_semaphore, #tpu.memory_space<semaphore_mem>>)
    %dma_start3A_56 = arith.constant 256 : i32
    %dma_start3A_57 = tpu.memref_slice %arg8[%dma_start3A_56] : memref<512xi32, #tpu.memory_space<vmem>> -> memref<256xi32, #tpu.memory_space<vmem>>
    %dma_start3A_58 = tpu.memref_slice %arg3[%multiple_of3A_46] : memref<100128xi32, #tpu.memory_space<hbm>> -> memref<256xi32, #tpu.memory_space<hbm>>
    %dma_start3A_59 = arith.constant 256 : i32
    %dma_start3A_60 = tpu.memref_slice %arg8[%dma_start3A_59] : memref<512xi32, #tpu.memory_space<vmem>> -> memref<256xi32, #tpu.memory_space<vmem>>
    %dma_start3A_61 = tpu.memref_slice %arg3[%multiple_of3A_46] : memref<100128xi32, #tpu.memory_space<hbm>> -> memref<256xi32, #tpu.memory_space<hbm>>
    tpu.enqueue_dma source(%dma_start3A_61 : memref<256xi32, #tpu.memory_space<hbm>>) target(%dma_start3A_60 : memref<256xi32, #tpu.memory_space<vmem>>) target_semaphore(%arg13 : memref<!tpu.dma_semaphore, #tpu.memory_space<semaphore_mem>>)
    %scan3A_62 = arith.constant 128 : i32
    %scan3A_63 = arith.constant 0 : i32
    %scan3A_64 = arith.constant 0 : i32
    %scan3A_65 = arith.constant 25 : i32
    %scan3A_66 = arith.addi %scan3A_64, %scan3A_65 : i32
    %scan3A_67 = arith.constant 1 : i32
    %scan3A_68:18 = scf.for %scan3A_123 = %scan3A_64 to %scan3A_66 step %scan3A_67 iter_args(%scan3A_124 = %scan3A_62, %scan3A_125 = %scan3A_63, %scan3A_126 = %broadcast_in_dim3A_1, %scan3A_127 = %broadcast_in_dim3A_1, %scan3A_128 = %broadcast_in_dim3A_1, %scan3A_129 = %broadcast_in_dim3A_1, %scan3A_130 = %broadcast_in_dim3A_1, %scan3A_131 = %broadcast_in_dim3A_1, %scan3A_132 = %broadcast_in_dim3A_1, %scan3A_133 = %broadcast_in_dim3A_1, %scan3A_134 = %broadcast_in_dim3A_1, %scan3A_135 = %broadcast_in_dim3A_1, %scan3A_136 = %broadcast_in_dim3A_1, %scan3A_137 = %broadcast_in_dim3A_1, %scan3A_138 = %broadcast_in_dim3A_1, %scan3A_139 = %broadcast_in_dim3A_1, %scan3A_140 = %broadcast_in_dim3A_1, %scan3A_141 = %broadcast_in_dim3A_1) -> (i32, i32, vector<16xf32>, vector<16xf32>, vector<16xf32>, vector<16xf32>, vector<16xf32>, vector<16xf32>, vector<16xf32>, vector<16xf32>, vector<16xf32>, vector<16xf32>, vector<16xf32>, vector<16xf32>, vector<16xf32>, vector<16xf32>, vector<16xf32>, vector<16xf32>)  : i32 {
      %and3A = arith.constant 1 : i32
      %and3A_142 = arith.andi %scan3A_123, %and3A : i32
      %mul3A_143 = arith.constant 256 : i32
      %mul3A_144 = arith.muli %and3A_142, %mul3A_143 : i32
      %eq3A = arith.constant 0 : i32
      %eq3A_145 = arith.cmpi eq, %and3A_142, %eq3A : i32
      %convert_element_type3A_146 = arith.extui %eq3A_145 : i1 to i32
      %cond3A = arith.constant 0 : i32
      %cond3A_147 = arith.cmpi ne, %convert_element_type3A_146, %cond3A : i32
      scf.if %cond3A_147 {
        %mul3A_189 = arith.constant 25 : i32
        %mul3A_190 = arith.muli %add3A, %mul3A_189 : i32
        %add3A_191 = arith.addi %mul3A_190, %scan3A_123 : i32
        %mul3A_192 = arith.constant 125 : i32
        %mul3A_193 = arith.muli %add3A_191, %mul3A_192 : i32
        %shift_right_arithmetic3A_194 = arith.constant 3 : i32
        %shift_right_arithmetic3A_195 = arith.shrsi %mul3A_193, %shift_right_arithmetic3A_194 : i32
        %shift_left3A_196 = arith.constant 3 : i32
        %shift_left3A_197 = arith.shli %shift_right_arithmetic3A_195, %shift_left3A_196 : i32
        %multiple_of3A_198 = tpu.assume_multiple %shift_left3A_197, 8 : i32
        %sub3A_199 = arith.subi %mul3A_193, %multiple_of3A_198 : i32
        %mul3A_200 = arith.constant 128 : i32
        %mul3A_201 = arith.muli %mul3A_193, %mul3A_200 : i32
        %dma_wait3A = arith.constant 0 : i32
        %dma_wait3A_202 = tpu.memref_slice %arg7[%dma_wait3A] : memref<32000xf32, #tpu.memory_space<vmem>> -> memref<16000xf32, #tpu.memory_space<vmem>>
        %dma_wait3A_203 = tpu.memref_slice %arg2[%mul3A_201] : memref<12800000xf32, #tpu.memory_space<hbm>> -> memref<16000xf32, #tpu.memory_space<hbm>>
        %dma_wait3A_204 = arith.constant 0 : i32
        %dma_wait3A_205 = tpu.memref_slice %arg7[%dma_wait3A_204] : memref<32000xf32, #tpu.memory_space<vmem>> -> memref<16000xf32, #tpu.memory_space<vmem>>
        %dma_wait3A_206 = tpu.memref_slice %arg2[%mul3A_201] : memref<12800000xf32, #tpu.memory_space<hbm>> -> memref<16000xf32, #tpu.memory_space<hbm>>
        tpu.wait_dma2 semaphore(%arg12 : memref<!tpu.dma_semaphore, #tpu.memory_space<semaphore_mem>>) src(%dma_wait3A_206 : memref<16000xf32, #tpu.memory_space<hbm>>) dst(%dma_wait3A_205 : memref<16000xf32, #tpu.memory_space<vmem>>)
        %dma_wait3A_207 = arith.constant 0 : i32
        %dma_wait3A_208 = tpu.memref_slice %arg8[%dma_wait3A_207] : memref<512xi32, #tpu.memory_space<vmem>> -> memref<256xi32, #tpu.memory_space<vmem>>
        %dma_wait3A_209 = tpu.memref_slice %arg3[%multiple_of3A_198] : memref<100128xi32, #tpu.memory_space<hbm>> -> memref<256xi32, #tpu.memory_space<hbm>>
        %dma_wait3A_210 = arith.constant 0 : i32
        %dma_wait3A_211 = tpu.memref_slice %arg8[%dma_wait3A_210] : memref<512xi32, #tpu.memory_space<vmem>> -> memref<256xi32, #tpu.memory_space<vmem>>
        %dma_wait3A_212 = tpu.memref_slice %arg3[%multiple_of3A_198] : memref<100128xi32, #tpu.memory_space<hbm>> -> memref<256xi32, #tpu.memory_space<hbm>>
        tpu.wait_dma2 semaphore(%arg12 : memref<!tpu.dma_semaphore, #tpu.memory_space<semaphore_mem>>) src(%dma_wait3A_212 : memref<256xi32, #tpu.memory_space<hbm>>) dst(%dma_wait3A_211 : memref<256xi32, #tpu.memory_space<vmem>>)
      } else {
      }
      %eq3A_148 = arith.constant 1 : i32
      %eq3A_149 = arith.cmpi eq, %and3A_142, %eq3A_148 : i32
      %convert_element_type3A_150 = arith.extui %eq3A_149 : i1 to i32
      %cond3A_151 = arith.constant 0 : i32
      %cond3A_152 = arith.cmpi ne, %convert_element_type3A_150, %cond3A_151 : i32
      scf.if %cond3A_152 {
        %mul3A_189 = arith.constant 25 : i32
        %mul3A_190 = arith.muli %add3A, %mul3A_189 : i32
        %add3A_191 = arith.addi %mul3A_190, %scan3A_123 : i32
        %mul3A_192 = arith.constant 125 : i32
        %mul3A_193 = arith.muli %add3A_191, %mul3A_192 : i32
        %shift_right_arithmetic3A_194 = arith.constant 3 : i32
        %shift_right_arithmetic3A_195 = arith.shrsi %mul3A_193, %shift_right_arithmetic3A_194 : i32
        %shift_left3A_196 = arith.constant 3 : i32
        %shift_left3A_197 = arith.shli %shift_right_arithmetic3A_195, %shift_left3A_196 : i32
        %multiple_of3A_198 = tpu.assume_multiple %shift_left3A_197, 8 : i32
        %sub3A_199 = arith.subi %mul3A_193, %multiple_of3A_198 : i32
        %mul3A_200 = arith.constant 128 : i32
        %mul3A_201 = arith.muli %mul3A_193, %mul3A_200 : i32
        %dma_wait3A = arith.constant 16000 : i32
        %dma_wait3A_202 = tpu.memref_slice %arg7[%dma_wait3A] : memref<32000xf32, #tpu.memory_space<vmem>> -> memref<16000xf32, #tpu.memory_space<vmem>>
        %dma_wait3A_203 = tpu.memref_slice %arg2[%mul3A_201] : memref<12800000xf32, #tpu.memory_space<hbm>> -> memref<16000xf32, #tpu.memory_space<hbm>>
        %dma_wait3A_204 = arith.constant 16000 : i32
        %dma_wait3A_205 = tpu.memref_slice %arg7[%dma_wait3A_204] : memref<32000xf32, #tpu.memory_space<vmem>> -> memref<16000xf32, #tpu.memory_space<vmem>>
        %dma_wait3A_206 = tpu.memref_slice %arg2[%mul3A_201] : memref<12800000xf32, #tpu.memory_space<hbm>> -> memref<16000xf32, #tpu.memory_space<hbm>>
        tpu.wait_dma2 semaphore(%arg13 : memref<!tpu.dma_semaphore, #tpu.memory_space<semaphore_mem>>) src(%dma_wait3A_206 : memref<16000xf32, #tpu.memory_space<hbm>>) dst(%dma_wait3A_205 : memref<16000xf32, #tpu.memory_space<vmem>>)
        %dma_wait3A_207 = arith.constant 256 : i32
        %dma_wait3A_208 = tpu.memref_slice %arg8[%dma_wait3A_207] : memref<512xi32, #tpu.memory_space<vmem>> -> memref<256xi32, #tpu.memory_space<vmem>>
        %dma_wait3A_209 = tpu.memref_slice %arg3[%multiple_of3A_198] : memref<100128xi32, #tpu.memory_space<hbm>> -> memref<256xi32, #tpu.memory_space<hbm>>
        %dma_wait3A_210 = arith.constant 256 : i32
        %dma_wait3A_211 = tpu.memref_slice %arg8[%dma_wait3A_210] : memref<512xi32, #tpu.memory_space<vmem>> -> memref<256xi32, #tpu.memory_space<vmem>>
        %dma_wait3A_212 = tpu.memref_slice %arg3[%multiple_of3A_198] : memref<100128xi32, #tpu.memory_space<hbm>> -> memref<256xi32, #tpu.memory_space<hbm>>
        tpu.wait_dma2 semaphore(%arg13 : memref<!tpu.dma_semaphore, #tpu.memory_space<semaphore_mem>>) src(%dma_wait3A_212 : memref<256xi32, #tpu.memory_space<hbm>>) dst(%dma_wait3A_211 : memref<256xi32, #tpu.memory_space<vmem>>)
      } else {
      }
      %mul3A_153 = arith.constant 25 : i32
      %mul3A_154 = arith.muli %add3A, %mul3A_153 : i32
      %add3A_155 = arith.addi %mul3A_154, %scan3A_123 : i32
      %mul3A_156 = arith.constant 125 : i32
      %mul3A_157 = arith.muli %add3A_155, %mul3A_156 : i32
      %shift_right_arithmetic3A_158 = arith.constant 3 : i32
      %shift_right_arithmetic3A_159 = arith.shrsi %mul3A_157, %shift_right_arithmetic3A_158 : i32
      %shift_left3A_160 = arith.constant 3 : i32
      %shift_left3A_161 = arith.shli %shift_right_arithmetic3A_159, %shift_left3A_160 : i32
      %multiple_of3A_162 = tpu.assume_multiple %shift_left3A_161, 8 : i32
      %sub3A_163 = arith.subi %mul3A_157, %multiple_of3A_162 : i32
      %scan3A_164 = arith.constant 0 : i32
      %scan3A_165 = arith.constant 125 : i32
      %scan3A_166 = arith.addi %scan3A_164, %scan3A_165 : i32
      %scan3A_167 = arith.constant 1 : i32
      %scan3A_168:18 = scf.for %scan3A_189 = %scan3A_164 to %scan3A_166 step %scan3A_167 iter_args(%scan3A_190 = %scan3A_124, %scan3A_191 = %scan3A_125, %scan3A_192 = %scan3A_126, %scan3A_193 = %scan3A_127, %scan3A_194 = %scan3A_128, %scan3A_195 = %scan3A_129, %scan3A_196 = %scan3A_130, %scan3A_197 = %scan3A_131, %scan3A_198 = %scan3A_132, %scan3A_199 = %scan3A_133, %scan3A_200 = %scan3A_134, %scan3A_201 = %scan3A_135, %scan3A_202 = %scan3A_136, %scan3A_203 = %scan3A_137, %scan3A_204 = %scan3A_138, %scan3A_205 = %scan3A_139, %scan3A_206 = %scan3A_140, %scan3A_207 = %scan3A_141) -> (i32, i32, vector<16xf32>, vector<16xf32>, vector<16xf32>, vector<16xf32>, vector<16xf32>, vector<16xf32>, vector<16xf32>, vector<16xf32>, vector<16xf32>, vector<16xf32>, vector<16xf32>, vector<16xf32>, vector<16xf32>, vector<16xf32>, vector<16xf32>, vector<16xf32>)  : i32 {
        %add3A_208 = arith.addi %mul3A_144, %sub3A_163 : i32
        %add3A_209 = arith.addi %add3A_208, %scan3A_189 : i32
        %get3A = arith.index_cast %add3A_209 : i32 to index
        %get3A_210 = tpu.vector_load %arg8[%get3A] {strides = array<i32>} : memref<512xi32, #tpu.memory_space<vmem>>, vector<16xi32>,
        %slice3A = vector.extract_strided_slice %get3A_210 {offsets = [0], sizes = [1], strides = [1]} : vector<16xi32> to vector<1xi32>
        %squeeze3A = vector.extract %slice3A[0] : i32 from vector<1xi32>
        %mul3A_211 = arith.constant 125 : i32
        %mul3A_212 = arith.muli %scan3A_123, %mul3A_211 : i32
        %add3A_213 = arith.addi %mul3A_212, %scan3A_189 : i32
        %ne3A = arith.cmpi ne, %squeeze3A, %scan3A_190 : i32
        %convert_element_type3A_214 = arith.extui %ne3A : i1 to i32
        %cond3A_215 = arith.constant 0 : i32
        %cond3A_216 = arith.cmpi ne, %convert_element_type3A_214, %cond3A_215 : i32
        %cond3A_217:18 = scf.if %cond3A_216 -> (i32, i32, vector<16xf32>, vector<16xf32>, vector<16xf32>, vector<16xf32>, vector<16xf32>, vector<16xf32>, vector<16xf32>, vector<16xf32>, vector<16xf32>, vector<16xf32>, vector<16xf32>, vector<16xf32>, vector<16xf32>, vector<16xf32>, vector<16xf32>, vector<16xf32>) {
          %swap3A_279 = arith.index_cast %scan3A_190 : i32 to index
          %swap3A_280 = arith.constant 0 : index
          %swap3A_281 = tpu.vector_load %arg9[%swap3A_279, %swap3A_280] {strides = array<i32>} : memref<129x128xf32, #tpu.memory_space<vmem>>, vector<16xf32>,
          tpu.vector_store %arg9[%swap3A_279, %swap3A_280], %scan3A_192 {strides = array<i32>} : memref<129x128xf32, #tpu.memory_space<vmem>>, vector<16xf32>,
          %swap3A_282 = arith.index_cast %scan3A_190 : i32 to index
          %swap3A_283 = arith.constant 0 : index
          %swap3A_284 = tpu.vector_load %arg10[%swap3A_282, %swap3A_283] {strides = array<i32>} : memref<129x128xf32, #tpu.memory_space<vmem>>, vector<16xf32>,
          tpu.vector_store %arg10[%swap3A_282, %swap3A_283], %scan3A_200 {strides = array<i32>} : memref<129x128xf32, #tpu.memory_space<vmem>>, vector<16xf32>,
          %swap3A_285 = arith.index_cast %scan3A_190 : i32 to index
          %swap3A_286 = arith.constant 16 : index
          %swap3A_287 = tpu.vector_load %arg9[%swap3A_285, %swap3A_286] {strides = array<i32>} : memref<129x128xf32, #tpu.memory_space<vmem>>, vector<16xf32>,
          tpu.vector_store %arg9[%swap3A_285, %swap3A_286], %scan3A_193 {strides = array<i32>} : memref<129x128xf32, #tpu.memory_space<vmem>>, vector<16xf32>,
          %swap3A_288 = arith.index_cast %scan3A_190 : i32 to index
          %swap3A_289 = arith.constant 16 : index
          %swap3A_290 = tpu.vector_load %arg10[%swap3A_288, %swap3A_289] {strides = array<i32>} : memref<129x128xf32, #tpu.memory_space<vmem>>, vector<16xf32>,
          tpu.vector_store %arg10[%swap3A_288, %swap3A_289], %scan3A_201 {strides = array<i32>} : memref<129x128xf32, #tpu.memory_space<vmem>>, vector<16xf32>,
          %swap3A_291 = arith.index_cast %scan3A_190 : i32 to index
          %swap3A_292 = arith.constant 32 : index
          %swap3A_293 = tpu.vector_load %arg9[%swap3A_291, %swap3A_292] {strides = array<i32>} : memref<129x128xf32, #tpu.memory_space<vmem>>, vector<16xf32>,
          tpu.vector_store %arg9[%swap3A_291, %swap3A_292], %scan3A_194 {strides = array<i32>} : memref<129x128xf32, #tpu.memory_space<vmem>>, vector<16xf32>,
          %swap3A_294 = arith.index_cast %scan3A_190 : i32 to index
          %swap3A_295 = arith.constant 32 : index
          %swap3A_296 = tpu.vector_load %arg10[%swap3A_294, %swap3A_295] {strides = array<i32>} : memref<129x128xf32, #tpu.memory_space<vmem>>, vector<16xf32>,
          tpu.vector_store %arg10[%swap3A_294, %swap3A_295], %scan3A_202 {strides = array<i32>} : memref<129x128xf32, #tpu.memory_space<vmem>>, vector<16xf32>,
          %swap3A_297 = arith.index_cast %scan3A_190 : i32 to index
          %swap3A_298 = arith.constant 48 : index
          %swap3A_299 = tpu.vector_load %arg9[%swap3A_297, %swap3A_298] {strides = array<i32>} : memref<129x128xf32, #tpu.memory_space<vmem>>, vector<16xf32>,
          tpu.vector_store %arg9[%swap3A_297, %swap3A_298], %scan3A_195 {strides = array<i32>} : memref<129x128xf32, #tpu.memory_space<vmem>>, vector<16xf32>,
          %swap3A_300 = arith.index_cast %scan3A_190 : i32 to index
          %swap3A_301 = arith.constant 48 : index
          %swap3A_302 = tpu.vector_load %arg10[%swap3A_300, %swap3A_301] {strides = array<i32>} : memref<129x128xf32, #tpu.memory_space<vmem>>, vector<16xf32>,
          tpu.vector_store %arg10[%swap3A_300, %swap3A_301], %scan3A_203 {strides = array<i32>} : memref<129x128xf32, #tpu.memory_space<vmem>>, vector<16xf32>,
          %swap3A_303 = arith.index_cast %scan3A_190 : i32 to index
          %swap3A_304 = arith.constant 64 : index
          %swap3A_305 = tpu.vector_load %arg9[%swap3A_303, %swap3A_304] {strides = array<i32>} : memref<129x128xf32, #tpu.memory_space<vmem>>, vector<16xf32>,
          tpu.vector_store %arg9[%swap3A_303, %swap3A_304], %scan3A_196 {strides = array<i32>} : memref<129x128xf32, #tpu.memory_space<vmem>>, vector<16xf32>,
          %swap3A_306 = arith.index_cast %scan3A_190 : i32 to index
          %swap3A_307 = arith.constant 64 : index
          %swap3A_308 = tpu.vector_load %arg10[%swap3A_306, %swap3A_307] {strides = array<i32>} : memref<129x128xf32, #tpu.memory_space<vmem>>, vector<16xf32>,
          tpu.vector_store %arg10[%swap3A_306, %swap3A_307], %scan3A_204 {strides = array<i32>} : memref<129x128xf32, #tpu.memory_space<vmem>>, vector<16xf32>,
          %swap3A_309 = arith.index_cast %scan3A_190 : i32 to index
          %swap3A_310 = arith.constant 80 : index
          %swap3A_311 = tpu.vector_load %arg9[%swap3A_309, %swap3A_310] {strides = array<i32>} : memref<129x128xf32, #tpu.memory_space<vmem>>, vector<16xf32>,
          tpu.vector_store %arg9[%swap3A_309, %swap3A_310], %scan3A_197 {strides = array<i32>} : memref<129x128xf32, #tpu.memory_space<vmem>>, vector<16xf32>,
          %swap3A_312 = arith.index_cast %scan3A_190 : i32 to index
          %swap3A_313 = arith.constant 80 : index
          %swap3A_314 = tpu.vector_load %arg10[%swap3A_312, %swap3A_313] {strides = array<i32>} : memref<129x128xf32, #tpu.memory_space<vmem>>, vector<16xf32>,
          tpu.vector_store %arg10[%swap3A_312, %swap3A_313], %scan3A_205 {strides = array<i32>} : memref<129x128xf32, #tpu.memory_space<vmem>>, vector<16xf32>,
          %swap3A_315 = arith.index_cast %scan3A_190 : i32 to index
          %swap3A_316 = arith.constant 96 : index
          %swap3A_317 = tpu.vector_load %arg9[%swap3A_315, %swap3A_316] {strides = array<i32>} : memref<129x128xf32, #tpu.memory_space<vmem>>, vector<16xf32>,
          tpu.vector_store %arg9[%swap3A_315, %swap3A_316], %scan3A_198 {strides = array<i32>} : memref<129x128xf32, #tpu.memory_space<vmem>>, vector<16xf32>,
          %swap3A_318 = arith.index_cast %scan3A_190 : i32 to index
          %swap3A_319 = arith.constant 96 : index
          %swap3A_320 = tpu.vector_load %arg10[%swap3A_318, %swap3A_319] {strides = array<i32>} : memref<129x128xf32, #tpu.memory_space<vmem>>, vector<16xf32>,
          tpu.vector_store %arg10[%swap3A_318, %swap3A_319], %scan3A_206 {strides = array<i32>} : memref<129x128xf32, #tpu.memory_space<vmem>>, vector<16xf32>,
          %swap3A_321 = arith.index_cast %scan3A_190 : i32 to index
          %swap3A_322 = arith.constant 112 : index
          %swap3A_323 = tpu.vector_load %arg9[%swap3A_321, %swap3A_322] {strides = array<i32>} : memref<129x128xf32, #tpu.memory_space<vmem>>, vector<16xf32>,
          tpu.vector_store %arg9[%swap3A_321, %swap3A_322], %scan3A_199 {strides = array<i32>} : memref<129x128xf32, #tpu.memory_space<vmem>>, vector<16xf32>,
          %swap3A_324 = arith.index_cast %scan3A_190 : i32 to index
          %swap3A_325 = arith.constant 112 : index
          %swap3A_326 = tpu.vector_load %arg10[%swap3A_324, %swap3A_325] {strides = array<i32>} : memref<129x128xf32, #tpu.memory_space<vmem>>, vector<16xf32>,
          tpu.vector_store %arg10[%swap3A_324, %swap3A_325], %scan3A_207 {strides = array<i32>} : memref<129x128xf32, #tpu.memory_space<vmem>>, vector<16xf32>,
          %sub3A_327 = arith.subi %add3A_213, %scan3A_191 : i32
          %convert_element_type3A_328 = arith.sitofp %sub3A_327 : i32 to f32
          %broadcast_in_dim3A_329 = vector.broadcast %convert_element_type3A_328 : f32 to vector<16xf32>
          %swap3A_330 = arith.index_cast %scan3A_190 : i32 to index
          %swap3A_331 = arith.constant 0 : index
          %swap3A_332 = tpu.vector_load %arg11[%swap3A_330, %swap3A_331] {strides = array<i32>} : memref<129x16xf32, #tpu.memory_space<vmem>>, vector<16xf32>,
          tpu.vector_store %arg11[%swap3A_330, %swap3A_331], %broadcast_in_dim3A_329 {strides = array<i32>} : memref<129x16xf32, #tpu.memory_space<vmem>>, vector<16xf32>,
          scf.yield %squeeze3A, %add3A_213, %broadcast_in_dim3A_1, %broadcast_in_dim3A_1, %broadcast_in_dim3A_1, %broadcast_in_dim3A_1, %broadcast_in_dim3A_1, %broadcast_in_dim3A_1, %broadcast_in_dim3A_1, %broadcast_in_dim3A_1, %broadcast_in_dim3A_1, %broadcast_in_dim3A_1, %broadcast_in_dim3A_1, %broadcast_in_dim3A_1, %broadcast_in_dim3A_1, %broadcast_in_dim3A_1, %broadcast_in_dim3A_1, %broadcast_in_dim3A_1 : i32, i32, vector<16xf32>, vector<16xf32>, vector<16xf32>, vector<16xf32>, vector<16xf32>, vector<16xf32>, vector<16xf32>, vector<16xf32>, vector<16xf32>, vector<16xf32>, vector<16xf32>, vector<16xf32>, vector<16xf32>, vector<16xf32>, vector<16xf32>, vector<16xf32>
        } else {
          scf.yield %scan3A_190, %scan3A_191, %scan3A_192, %scan3A_193, %scan3A_194, %scan3A_195, %scan3A_196, %scan3A_197, %scan3A_198, %scan3A_199, %scan3A_200, %scan3A_201, %scan3A_202, %scan3A_203, %scan3A_204, %scan3A_205, %scan3A_206, %scan3A_207 : i32, i32, vector<16xf32>, vector<16xf32>, vector<16xf32>, vector<16xf32>, vector<16xf32>, vector<16xf32>, vector<16xf32>, vector<16xf32>, vector<16xf32>, vector<16xf32>, vector<16xf32>, vector<16xf32>, vector<16xf32>, vector<16xf32>, vector<16xf32>, vector<16xf32>
        }
        %mul3A_218 = arith.constant 16000 : i32
        %mul3A_219 = arith.muli %and3A_142, %mul3A_218 : i32
        %mul3A_220 = arith.constant 128 : i32
        %mul3A_221 = arith.muli %scan3A_189, %mul3A_220 : i32
        %add3A_222 = arith.addi %mul3A_219, %mul3A_221 : i32
        %add3A_223 = arith.constant 0 : i32
        %add3A_224 = arith.addi %add3A_222, %add3A_223 : i32
        %get3A_225 = arith.index_cast %add3A_224 : i32 to index
        %get3A_226 = tpu.vector_load %arg7[%get3A_225] {strides = array<i32>} : memref<32000xf32, #tpu.memory_space<vmem>>, vector<16xf32>,
        %add3A_227 = arith.addf %cond3A_217#2, %get3A_226 : vector<16xf32>
        %mul3A_228 = arith.mulf %get3A_226, %get3A_226 : vector<16xf32>
        %add3A_229 = arith.addf %cond3A_217#10, %mul3A_228 : vector<16xf32>
        %add3A_230 = arith.constant 16 : i32
        %add3A_231 = arith.addi %add3A_222, %add3A_230 : i32
        %get3A_232 = arith.index_cast %add3A_231 : i32 to index
        %get3A_233 = tpu.vector_load %arg7[%get3A_232] {strides = array<i32>} : memref<32000xf32, #tpu.memory_space<vmem>>, vector<16xf32>,
        %add3A_234 = arith.addf %cond3A_217#3, %get3A_233 : vector<16xf32>
        %mul3A_235 = arith.mulf %get3A_233, %get3A_233 : vector<16xf32>
        %add3A_236 = arith.addf %cond3A_217#11, %mul3A_235 : vector<16xf32>
        %add3A_237 = arith.constant 32 : i32
        %add3A_238 = arith.addi %add3A_222, %add3A_237 : i32
        %get3A_239 = arith.index_cast %add3A_238 : i32 to index
        %get3A_240 = tpu.vector_load %arg7[%get3A_239] {strides = array<i32>} : memref<32000xf32, #tpu.memory_space<vmem>>, vector<16xf32>,
        %add3A_241 = arith.addf %cond3A_217#4, %get3A_240 : vector<16xf32>
        %mul3A_242 = arith.mulf %get3A_240, %get3A_240 : vector<16xf32>
        %add3A_243 = arith.addf %cond3A_217#12, %mul3A_242 : vector<16xf32>
        %add3A_244 = arith.constant 48 : i32
        %add3A_245 = arith.addi %add3A_222, %add3A_244 : i32
        %get3A_246 = arith.index_cast %add3A_245 : i32 to index
        %get3A_247 = tpu.vector_load %arg7[%get3A_246] {strides = array<i32>} : memref<32000xf32, #tpu.memory_space<vmem>>, vector<16xf32>,
        %add3A_248 = arith.addf %cond3A_217#5, %get3A_247 : vector<16xf32>
        %mul3A_249 = arith.mulf %get3A_247, %get3A_247 : vector<16xf32>
        %add3A_250 = arith.addf %cond3A_217#13, %mul3A_249 : vector<16xf32>
        %add3A_251 = arith.constant 64 : i32
        %add3A_252 = arith.addi %add3A_222, %add3A_251 : i32
        %get3A_253 = arith.index_cast %add3A_252 : i32 to index
        %get3A_254 = tpu.vector_load %arg7[%get3A_253] {strides = array<i32>} : memref<32000xf32, #tpu.memory_space<vmem>>, vector<16xf32>,
        %add3A_255 = arith.addf %cond3A_217#6, %get3A_254 : vector<16xf32>
        %mul3A_256 = arith.mulf %get3A_254, %get3A_254 : vector<16xf32>
        %add3A_257 = arith.addf %cond3A_217#14, %mul3A_256 : vector<16xf32>
        %add3A_258 = arith.constant 80 : i32
        %add3A_259 = arith.addi %add3A_222, %add3A_258 : i32
        %get3A_260 = arith.index_cast %add3A_259 : i32 to index
        %get3A_261 = tpu.vector_load %arg7[%get3A_260] {strides = array<i32>} : memref<32000xf32, #tpu.memory_space<vmem>>, vector<16xf32>,
        %add3A_262 = arith.addf %cond3A_217#7, %get3A_261 : vector<16xf32>
        %mul3A_263 = arith.mulf %get3A_261, %get3A_261 : vector<16xf32>
        %add3A_264 = arith.addf %cond3A_217#15, %mul3A_263 : vector<16xf32>
        %add3A_265 = arith.constant 96 : i32
        %add3A_266 = arith.addi %add3A_222, %add3A_265 : i32
        %get3A_267 = arith.index_cast %add3A_266 : i32 to index
        %get3A_268 = tpu.vector_load %arg7[%get3A_267] {strides = array<i32>} : memref<32000xf32, #tpu.memory_space<vmem>>, vector<16xf32>,
        %add3A_269 = arith.addf %cond3A_217#8, %get3A_268 : vector<16xf32>
        %mul3A_270 = arith.mulf %get3A_268, %get3A_268 : vector<16xf32>
        %add3A_271 = arith.addf %cond3A_217#16, %mul3A_270 : vector<16xf32>
        %add3A_272 = arith.constant 112 : i32
        %add3A_273 = arith.addi %add3A_222, %add3A_272 : i32
        %get3A_274 = arith.index_cast %add3A_273 : i32 to index
        %get3A_275 = tpu.vector_load %arg7[%get3A_274] {strides = array<i32>} : memref<32000xf32, #tpu.memory_space<vmem>>, vector<16xf32>,
        %add3A_276 = arith.addf %cond3A_217#9, %get3A_275 : vector<16xf32>
        %mul3A_277 = arith.mulf %get3A_275, %get3A_275 : vector<16xf32>
        %add3A_278 = arith.addf %cond3A_217#17, %mul3A_277 : vector<16xf32>
        scf.yield %cond3A_217#0, %cond3A_217#1, %add3A_227, %add3A_234, %add3A_241, %add3A_248, %add3A_255, %add3A_262, %add3A_269, %add3A_276, %add3A_229, %add3A_236, %add3A_243, %add3A_250, %add3A_257, %add3A_264, %add3A_271, %add3A_278 : i32, i32, vector<16xf32>, vector<16xf32>, vector<16xf32>, vector<16xf32>, vector<16xf32>, vector<16xf32>, vector<16xf32>, vector<16xf32>, vector<16xf32>, vector<16xf32>, vector<16xf32>, vector<16xf32>, vector<16xf32>, vector<16xf32>, vector<16xf32>, vector<16xf32>
      }
      %scan3A_169 = arith.constant 125 : i32
      %eq3A_170 = arith.constant 0 : i32
      %eq3A_171 = arith.cmpi eq, %and3A_142, %eq3A_170 : i32
      %add3A_172 = arith.constant 2 : i32
      %add3A_173 = arith.addi %scan3A_123, %add3A_172 : i32
      %lt3A = arith.constant 25 : i32
      %lt3A_174 = arith.cmpi slt, %add3A_173, %lt3A : i32
      %and3A_175 = arith.andi %eq3A_171, %lt3A_174 : i1
      %convert_element_type3A_176 = arith.extui %and3A_175 : i1 to i32
      %cond3A_177 = arith.constant 0 : i32
      %cond3A_178 = arith.cmpi ne, %convert_element_type3A_176, %cond3A_177 : i32
      scf.if %cond3A_178 {
        %add3A_189 = arith.constant 2 : i32
        %add3A_190 = arith.addi %scan3A_123, %add3A_189 : i32
        %mul3A_191 = arith.constant 25 : i32
        %mul3A_192 = arith.muli %add3A, %mul3A_191 : i32
        %add3A_193 = arith.addi %mul3A_192, %add3A_190 : i32
        %mul3A_194 = arith.constant 125 : i32
        %mul3A_195 = arith.muli %add3A_193, %mul3A_194 : i32
        %shift_right_arithmetic3A_196 = arith.constant 3 : i32
        %shift_right_arithmetic3A_197 = arith.shrsi %mul3A_195, %shift_right_arithmetic3A_196 : i32
        %shift_left3A_198 = arith.constant 3 : i32
        %shift_left3A_199 = arith.shli %shift_right_arithmetic3A_197, %shift_left3A_198 : i32
        %multiple_of3A_200 = tpu.assume_multiple %shift_left3A_199, 8 : i32
        %sub3A_201 = arith.subi %mul3A_195, %multiple_of3A_200 : i32
        %mul3A_202 = arith.constant 128 : i32
        %mul3A_203 = arith.muli %mul3A_195, %mul3A_202 : i32
        %dma_start3A_204 = arith.constant 0 : i32
        %dma_start3A_205 = tpu.memref_slice %arg7[%dma_start3A_204] : memref<32000xf32, #tpu.memory_space<vmem>> -> memref<16000xf32, #tpu.memory_space<vmem>>
        %dma_start3A_206 = tpu.memref_slice %arg2[%mul3A_203] : memref<12800000xf32, #tpu.memory_space<hbm>> -> memref<16000xf32, #tpu.memory_space<hbm>>
        %dma_start3A_207 = arith.constant 0 : i32
        %dma_start3A_208 = tpu.memref_slice %arg7[%dma_start3A_207] : memref<32000xf32, #tpu.memory_space<vmem>> -> memref<16000xf32, #tpu.memory_space<vmem>>
        %dma_start3A_209 = tpu.memref_slice %arg2[%mul3A_203] : memref<12800000xf32, #tpu.memory_space<hbm>> -> memref<16000xf32, #tpu.memory_space<hbm>>
        tpu.enqueue_dma source(%dma_start3A_209 : memref<16000xf32, #tpu.memory_space<hbm>>) target(%dma_start3A_208 : memref<16000xf32, #tpu.memory_space<vmem>>) target_semaphore(%arg12 : memref<!tpu.dma_semaphore, #tpu.memory_space<semaphore_mem>>)
        %dma_start3A_210 = arith.constant 0 : i32
        %dma_start3A_211 = tpu.memref_slice %arg8[%dma_start3A_210] : memref<512xi32, #tpu.memory_space<vmem>> -> memref<256xi32, #tpu.memory_space<vmem>>
        %dma_start3A_212 = tpu.memref_slice %arg3[%multiple_of3A_200] : memref<100128xi32, #tpu.memory_space<hbm>> -> memref<256xi32, #tpu.memory_space<hbm>>
        %dma_start3A_213 = arith.constant 0 : i32
        %dma_start3A_214 = tpu.memref_slice %arg8[%dma_start3A_213] : memref<512xi32, #tpu.memory_space<vmem>> -> memref<256xi32, #tpu.memory_space<vmem>>
        %dma_start3A_215 = tpu.memref_slice %arg3[%multiple_of3A_200] : memref<100128xi32, #tpu.memory_space<hbm>> -> memref<256xi32, #tpu.memory_space<hbm>>
        tpu.enqueue_dma source(%dma_start3A_215 : memref<256xi32, #tpu.memory_space<hbm>>) target(%dma_start3A_214 : memref<256xi32, #tpu.memory_space<vmem>>) target_semaphore(%arg12 : memref<!tpu.dma_semaphore, #tpu.memory_space<semaphore_mem>>)
      } else {
      }
      %eq3A_179 = arith.constant 1 : i32
      %eq3A_180 = arith.cmpi eq, %and3A_142, %eq3A_179 : i32
      %add3A_181 = arith.constant 2 : i32
      %add3A_182 = arith.addi %scan3A_123, %add3A_181 : i32
      %lt3A_183 = arith.constant 25 : i32
      %lt3A_184 = arith.cmpi slt, %add3A_182, %lt3A_183 : i32
      %and3A_185 = arith.andi %eq3A_180, %lt3A_184 : i1
      %convert_element_type3A_186 = arith.extui %and3A_185 : i1 to i32
      %cond3A_187 = arith.constant 0 : i32
      %cond3A_188 = arith.cmpi ne, %convert_element_type3A_186, %cond3A_187 : i32
      scf.if %cond3A_188 {
        %add3A_189 = arith.constant 2 : i32
        %add3A_190 = arith.addi %scan3A_123, %add3A_189 : i32
        %mul3A_191 = arith.constant 25 : i32
        %mul3A_192 = arith.muli %add3A, %mul3A_191 : i32
        %add3A_193 = arith.addi %mul3A_192, %add3A_190 : i32
        %mul3A_194 = arith.constant 125 : i32
        %mul3A_195 = arith.muli %add3A_193, %mul3A_194 : i32
        %shift_right_arithmetic3A_196 = arith.constant 3 : i32
        %shift_right_arithmetic3A_197 = arith.shrsi %mul3A_195, %shift_right_arithmetic3A_196 : i32
        %shift_left3A_198 = arith.constant 3 : i32
        %shift_left3A_199 = arith.shli %shift_right_arithmetic3A_197, %shift_left3A_198 : i32
        %multiple_of3A_200 = tpu.assume_multiple %shift_left3A_199, 8 : i32
        %sub3A_201 = arith.subi %mul3A_195, %multiple_of3A_200 : i32
        %mul3A_202 = arith.constant 128 : i32
        %mul3A_203 = arith.muli %mul3A_195, %mul3A_202 : i32
        %dma_start3A_204 = arith.constant 16000 : i32
        %dma_start3A_205 = tpu.memref_slice %arg7[%dma_start3A_204] : memref<32000xf32, #tpu.memory_space<vmem>> -> memref<16000xf32, #tpu.memory_space<vmem>>
        %dma_start3A_206 = tpu.memref_slice %arg2[%mul3A_203] : memref<12800000xf32, #tpu.memory_space<hbm>> -> memref<16000xf32, #tpu.memory_space<hbm>>
        %dma_start3A_207 = arith.constant 16000 : i32
        %dma_start3A_208 = tpu.memref_slice %arg7[%dma_start3A_207] : memref<32000xf32, #tpu.memory_space<vmem>> -> memref<16000xf32, #tpu.memory_space<vmem>>
        %dma_start3A_209 = tpu.memref_slice %arg2[%mul3A_203] : memref<12800000xf32, #tpu.memory_space<hbm>> -> memref<16000xf32, #tpu.memory_space<hbm>>
        tpu.enqueue_dma source(%dma_start3A_209 : memref<16000xf32, #tpu.memory_space<hbm>>) target(%dma_start3A_208 : memref<16000xf32, #tpu.memory_space<vmem>>) target_semaphore(%arg13 : memref<!tpu.dma_semaphore, #tpu.memory_space<semaphore_mem>>)
        %dma_start3A_210 = arith.constant 256 : i32
        %dma_start3A_211 = tpu.memref_slice %arg8[%dma_start3A_210] : memref<512xi32, #tpu.memory_space<vmem>> -> memref<256xi32, #tpu.memory_space<vmem>>
        %dma_start3A_212 = tpu.memref_slice %arg3[%multiple_of3A_200] : memref<100128xi32, #tpu.memory_space<hbm>> -> memref<256xi32, #tpu.memory_space<hbm>>
        %dma_start3A_213 = arith.constant 256 : i32
        %dma_start3A_214 = tpu.memref_slice %arg8[%dma_start3A_213] : memref<512xi32, #tpu.memory_space<vmem>> -> memref<256xi32, #tpu.memory_space<vmem>>
        %dma_start3A_215 = tpu.memref_slice %arg3[%multiple_of3A_200] : memref<100128xi32, #tpu.memory_space<hbm>> -> memref<256xi32, #tpu.memory_space<hbm>>
        tpu.enqueue_dma source(%dma_start3A_215 : memref<256xi32, #tpu.memory_space<hbm>>) target(%dma_start3A_214 : memref<256xi32, #tpu.memory_space<vmem>>) target_semaphore(%arg13 : memref<!tpu.dma_semaphore, #tpu.memory_space<semaphore_mem>>)
      } else {
      }
      scf.yield %scan3A_168#0, %scan3A_168#1, %scan3A_168#2, %scan3A_168#3, %scan3A_168#4, %scan3A_168#5, %scan3A_168#6, %scan3A_168#7, %scan3A_168#8, %scan3A_168#9, %scan3A_168#10, %scan3A_168#11, %scan3A_168#12, %scan3A_168#13, %scan3A_168#14, %scan3A_168#15, %scan3A_168#16, %scan3A_168#17 : i32, i32, vector<16xf32>, vector<16xf32>, vector<16xf32>, vector<16xf32>, vector<16xf32>, vector<16xf32>, vector<16xf32>, vector<16xf32>, vector<16xf32>, vector<16xf32>, vector<16xf32>, vector<16xf32>, vector<16xf32>, vector<16xf32>, vector<16xf32>, vector<16xf32>
    }
    %scan3A_69 = arith.constant 25 : i32
    %swap3A = arith.index_cast %scan3A_68#0 : i32 to index
    %swap3A_70 = arith.constant 0 : index
    %swap3A_71 = tpu.vector_load %arg9[%swap3A, %swap3A_70] {strides = array<i32>} : memref<129x128xf32, #tpu.memory_space<vmem>>, vector<16xf32>,
    tpu.vector_store %arg9[%swap3A, %swap3A_70], %scan3A_68#2 {strides = array<i32>} : memref<129x128xf32, #tpu.memory_space<vmem>>, vector<16xf32>,
    %swap3A_72 = arith.index_cast %scan3A_68#0 : i32 to index
    %swap3A_73 = arith.constant 0 : index
    %swap3A_74 = tpu.vector_load %arg10[%swap3A_72, %swap3A_73] {strides = array<i32>} : memref<129x128xf32, #tpu.memory_space<vmem>>, vector<16xf32>,
    tpu.vector_store %arg10[%swap3A_72, %swap3A_73], %scan3A_68#10 {strides = array<i32>} : memref<129x128xf32, #tpu.memory_space<vmem>>, vector<16xf32>,
    %swap3A_75 = arith.index_cast %scan3A_68#0 : i32 to index
    %swap3A_76 = arith.constant 16 : index
    %swap3A_77 = tpu.vector_load %arg9[%swap3A_75, %swap3A_76] {strides = array<i32>} : memref<129x128xf32, #tpu.memory_space<vmem>>, vector<16xf32>,
    tpu.vector_store %arg9[%swap3A_75, %swap3A_76], %scan3A_68#3 {strides = array<i32>} : memref<129x128xf32, #tpu.memory_space<vmem>>, vector<16xf32>,
    %swap3A_78 = arith.index_cast %scan3A_68#0 : i32 to index
    %swap3A_79 = arith.constant 16 : index
    %swap3A_80 = tpu.vector_load %arg10[%swap3A_78, %swap3A_79] {strides = array<i32>} : memref<129x128xf32, #tpu.memory_space<vmem>>, vector<16xf32>,
    tpu.vector_store %arg10[%swap3A_78, %swap3A_79], %scan3A_68#11 {strides = array<i32>} : memref<129x128xf32, #tpu.memory_space<vmem>>, vector<16xf32>,
    %swap3A_81 = arith.index_cast %scan3A_68#0 : i32 to index
    %swap3A_82 = arith.constant 32 : index
    %swap3A_83 = tpu.vector_load %arg9[%swap3A_81, %swap3A_82] {strides = array<i32>} : memref<129x128xf32, #tpu.memory_space<vmem>>, vector<16xf32>,
    tpu.vector_store %arg9[%swap3A_81, %swap3A_82], %scan3A_68#4 {strides = array<i32>} : memref<129x128xf32, #tpu.memory_space<vmem>>, vector<16xf32>,
    %swap3A_84 = arith.index_cast %scan3A_68#0 : i32 to index
    %swap3A_85 = arith.constant 32 : index
    %swap3A_86 = tpu.vector_load %arg10[%swap3A_84, %swap3A_85] {strides = array<i32>} : memref<129x128xf32, #tpu.memory_space<vmem>>, vector<16xf32>,
    tpu.vector_store %arg10[%swap3A_84, %swap3A_85], %scan3A_68#12 {strides = array<i32>} : memref<129x128xf32, #tpu.memory_space<vmem>>, vector<16xf32>,
    %swap3A_87 = arith.index_cast %scan3A_68#0 : i32 to index
    %swap3A_88 = arith.constant 48 : index
    %swap3A_89 = tpu.vector_load %arg9[%swap3A_87, %swap3A_88] {strides = array<i32>} : memref<129x128xf32, #tpu.memory_space<vmem>>, vector<16xf32>,
    tpu.vector_store %arg9[%swap3A_87, %swap3A_88], %scan3A_68#5 {strides = array<i32>} : memref<129x128xf32, #tpu.memory_space<vmem>>, vector<16xf32>,
    %swap3A_90 = arith.index_cast %scan3A_68#0 : i32 to index
    %swap3A_91 = arith.constant 48 : index
    %swap3A_92 = tpu.vector_load %arg10[%swap3A_90, %swap3A_91] {strides = array<i32>} : memref<129x128xf32, #tpu.memory_space<vmem>>, vector<16xf32>,
    tpu.vector_store %arg10[%swap3A_90, %swap3A_91], %scan3A_68#13 {strides = array<i32>} : memref<129x128xf32, #tpu.memory_space<vmem>>, vector<16xf32>,
    %swap3A_93 = arith.index_cast %scan3A_68#0 : i32 to index
    %swap3A_94 = arith.constant 64 : index
    %swap3A_95 = tpu.vector_load %arg9[%swap3A_93, %swap3A_94] {strides = array<i32>} : memref<129x128xf32, #tpu.memory_space<vmem>>, vector<16xf32>,
    tpu.vector_store %arg9[%swap3A_93, %swap3A_94], %scan3A_68#6 {strides = array<i32>} : memref<129x128xf32, #tpu.memory_space<vmem>>, vector<16xf32>,
    %swap3A_96 = arith.index_cast %scan3A_68#0 : i32 to index
    %swap3A_97 = arith.constant 64 : index
    %swap3A_98 = tpu.vector_load %arg10[%swap3A_96, %swap3A_97] {strides = array<i32>} : memref<129x128xf32, #tpu.memory_space<vmem>>, vector<16xf32>,
    tpu.vector_store %arg10[%swap3A_96, %swap3A_97], %scan3A_68#14 {strides = array<i32>} : memref<129x128xf32, #tpu.memory_space<vmem>>, vector<16xf32>,
    %swap3A_99 = arith.index_cast %scan3A_68#0 : i32 to index
    %swap3A_100 = arith.constant 80 : index
    %swap3A_101 = tpu.vector_load %arg9[%swap3A_99, %swap3A_100] {strides = array<i32>} : memref<129x128xf32, #tpu.memory_space<vmem>>, vector<16xf32>,
    tpu.vector_store %arg9[%swap3A_99, %swap3A_100], %scan3A_68#7 {strides = array<i32>} : memref<129x128xf32, #tpu.memory_space<vmem>>, vector<16xf32>,
    %swap3A_102 = arith.index_cast %scan3A_68#0 : i32 to index
    %swap3A_103 = arith.constant 80 : index
    %swap3A_104 = tpu.vector_load %arg10[%swap3A_102, %swap3A_103] {strides = array<i32>} : memref<129x128xf32, #tpu.memory_space<vmem>>, vector<16xf32>,
    tpu.vector_store %arg10[%swap3A_102, %swap3A_103], %scan3A_68#15 {strides = array<i32>} : memref<129x128xf32, #tpu.memory_space<vmem>>, vector<16xf32>,
    %swap3A_105 = arith.index_cast %scan3A_68#0 : i32 to index
    %swap3A_106 = arith.constant 96 : index
    %swap3A_107 = tpu.vector_load %arg9[%swap3A_105, %swap3A_106] {strides = array<i32>} : memref<129x128xf32, #tpu.memory_space<vmem>>, vector<16xf32>,
    tpu.vector_store %arg9[%swap3A_105, %swap3A_106], %scan3A_68#8 {strides = array<i32>} : memref<129x128xf32, #tpu.memory_space<vmem>>, vector<16xf32>,
    %swap3A_108 = arith.index_cast %scan3A_68#0 : i32 to index
    %swap3A_109 = arith.constant 96 : index
    %swap3A_110 = tpu.vector_load %arg10[%swap3A_108, %swap3A_109] {strides = array<i32>} : memref<129x128xf32, #tpu.memory_space<vmem>>, vector<16xf32>,
    tpu.vector_store %arg10[%swap3A_108, %swap3A_109], %scan3A_68#16 {strides = array<i32>} : memref<129x128xf32, #tpu.memory_space<vmem>>, vector<16xf32>,
    %swap3A_111 = arith.index_cast %scan3A_68#0 : i32 to index
    %swap3A_112 = arith.constant 112 : index
    %swap3A_113 = tpu.vector_load %arg9[%swap3A_111, %swap3A_112] {strides = array<i32>} : memref<129x128xf32, #tpu.memory_space<vmem>>, vector<16xf32>,
    tpu.vector_store %arg9[%swap3A_111, %swap3A_112], %scan3A_68#9 {strides = array<i32>} : memref<129x128xf32, #tpu.memory_space<vmem>>, vector<16xf32>,
    %swap3A_114 = arith.index_cast %scan3A_68#0 : i32 to index
    %swap3A_115 = arith.constant 112 : index
    %swap3A_116 = tpu.vector_load %arg10[%swap3A_114, %swap3A_115] {strides = array<i32>} : memref<129x128xf32, #tpu.memory_space<vmem>>, vector<16xf32>,
    tpu.vector_store %arg10[%swap3A_114, %swap3A_115], %scan3A_68#17 {strides = array<i32>} : memref<129x128xf32, #tpu.memory_space<vmem>>, vector<16xf32>,
    %sub3A_117 = arith.constant 3125 : i32
    %sub3A_118 = arith.subi %sub3A_117, %scan3A_68#1 : i32
    %convert_element_type3A = arith.sitofp %sub3A_118 : i32 to f32
    %broadcast_in_dim3A_119 = vector.broadcast %convert_element_type3A : f32 to vector<16xf32>
    %swap3A_120 = arith.index_cast %scan3A_68#0 : i32 to index
    %swap3A_121 = arith.constant 0 : index
    %swap3A_122 = tpu.vector_load %arg11[%swap3A_120, %swap3A_121] {strides = array<i32>} : memref<129x16xf32, #tpu.memory_space<vmem>>, vector<16xf32>,
    tpu.vector_store %arg11[%swap3A_120, %swap3A_121], %broadcast_in_dim3A_119 {strides = array<i32>} : memref<129x16xf32, #tpu.memory_space<vmem>>, vector<16xf32>,
    "tpu.region"() ({
      %run_scoped3A = tpu.sem_alloc : memref<!tpu.dma_semaphore, #tpu.memory_space<semaphore_mem>>
      %dma_start3A_123 = arith.constant 0 : i32
      %dma_start3A_124 = arith.constant 0 : i32
      %dma_start3A_125 = tpu.memref_slice %arg9[%dma_start3A_123, %dma_start3A_124] : memref<129x128xf32, #tpu.memory_space<vmem>> -> memref<128x128xf32, #tpu.memory_space<vmem>>
      %dma_start3A_126 = arith.constant 0 : i32
      %dma_start3A_127 = arith.constant 0 : i32
      %dma_start3A_128 = tpu.memref_slice %arg4[%add3A, %dma_start3A_126, %dma_start3A_127] : memref<32x128x128xf32, #tpu.memory_space<hbm>> -> memref<1x128x128xf32, #tpu.memory_space<hbm>>
      %dma_start3A_129 = tpu.memref_squeeze %dma_start3A_128 : memref<1x128x128xf32, #tpu.memory_space<hbm>> -> memref<128x128xf32, #tpu.memory_space<hbm>>
      %dma_start3A_130 = arith.constant 0 : i32
      %dma_start3A_131 = arith.constant 0 : i32
      %dma_start3A_132 = tpu.memref_slice %arg4[%add3A, %dma_start3A_130, %dma_start3A_131] : memref<32x128x128xf32, #tpu.memory_space<hbm>> -> memref<1x128x128xf32, #tpu.memory_space<hbm>>
      %dma_start3A_133 = tpu.memref_squeeze %dma_start3A_132 : memref<1x128x128xf32, #tpu.memory_space<hbm>> -> memref<128x128xf32, #tpu.memory_space<hbm>>
      %dma_start3A_134 = arith.constant 0 : i32
      %dma_start3A_135 = arith.constant 0 : i32
      %dma_start3A_136 = tpu.memref_slice %arg9[%dma_start3A_134, %dma_start3A_135] : memref<129x128xf32, #tpu.memory_space<vmem>> -> memref<128x128xf32, #tpu.memory_space<vmem>>
      tpu.enqueue_dma source(%dma_start3A_136 : memref<128x128xf32, #tpu.memory_space<vmem>>) target(%dma_start3A_133 : memref<128x128xf32, #tpu.memory_space<hbm>>) target_semaphore(%run_scoped3A : memref<!tpu.dma_semaphore, #tpu.memory_space<semaphore_mem>>)
      %dma_wait3A = arith.constant 0 : i32
      %dma_wait3A_137 = arith.constant 0 : i32
      %dma_wait3A_138 = tpu.memref_slice %arg9[%dma_wait3A, %dma_wait3A_137] : memref<129x128xf32, #tpu.memory_space<vmem>> -> memref<128x128xf32, #tpu.memory_space<vmem>>
      %dma_wait3A_139 = arith.constant 0 : i32
      %dma_wait3A_140 = arith.constant 0 : i32
      %dma_wait3A_141 = tpu.memref_slice %arg4[%add3A, %dma_wait3A_139, %dma_wait3A_140] : memref<32x128x128xf32, #tpu.memory_space<hbm>> -> memref<1x128x128xf32, #tpu.memory_space<hbm>>
      %dma_wait3A_142 = tpu.memref_squeeze %dma_wait3A_141 : memref<1x128x128xf32, #tpu.memory_space<hbm>> -> memref<128x128xf32, #tpu.memory_space<hbm>>
      %dma_wait3A_143 = arith.constant 0 : i32
      %dma_wait3A_144 = arith.constant 0 : i32
      %dma_wait3A_145 = tpu.memref_slice %arg4[%add3A, %dma_wait3A_143, %dma_wait3A_144] : memref<32x128x128xf32, #tpu.memory_space<hbm>> -> memref<1x128x128xf32, #tpu.memory_space<hbm>>
      %dma_wait3A_146 = tpu.memref_squeeze %dma_wait3A_145 : memref<1x128x128xf32, #tpu.memory_space<hbm>> -> memref<128x128xf32, #tpu.memory_space<hbm>>
      %dma_wait3A_147 = arith.constant 0 : i32
      %dma_wait3A_148 = arith.constant 0 : i32
      %dma_wait3A_149 = tpu.memref_slice %arg9[%dma_wait3A_147, %dma_wait3A_148] : memref<129x128xf32, #tpu.memory_space<vmem>> -> memref<128x128xf32, #tpu.memory_space<vmem>>
      tpu.wait_dma2 semaphore(%run_scoped3A : memref<!tpu.dma_semaphore, #tpu.memory_space<semaphore_mem>>) src(%dma_wait3A_149 : memref<128x128xf32, #tpu.memory_space<vmem>>) dst(%dma_wait3A_146 : memref<128x128xf32, #tpu.memory_space<hbm>>)
      tpu.yield
    }) : () -> ()
    "tpu.region"() ({
      %run_scoped3A = tpu.sem_alloc : memref<!tpu.dma_semaphore, #tpu.memory_space<semaphore_mem>>
      %dma_start3A_123 = arith.constant 0 : i32
      %dma_start3A_124 = arith.constant 0 : i32
      %dma_start3A_125 = tpu.memref_slice %arg10[%dma_start3A_123, %dma_start3A_124] : memref<129x128xf32, #tpu.memory_space<vmem>> -> memref<128x128xf32, #tpu.memory_space<vmem>>
      %dma_start3A_126 = arith.constant 0 : i32
      %dma_start3A_127 = arith.constant 0 : i32
      %dma_start3A_128 = tpu.memref_slice %arg5[%add3A, %dma_start3A_126, %dma_start3A_127] : memref<32x128x128xf32, #tpu.memory_space<hbm>> -> memref<1x128x128xf32, #tpu.memory_space<hbm>>
      %dma_start3A_129 = tpu.memref_squeeze %dma_start3A_128 : memref<1x128x128xf32, #tpu.memory_space<hbm>> -> memref<128x128xf32, #tpu.memory_space<hbm>>
      %dma_start3A_130 = arith.constant 0 : i32
      %dma_start3A_131 = arith.constant 0 : i32
      %dma_start3A_132 = tpu.memref_slice %arg5[%add3A, %dma_start3A_130, %dma_start3A_131] : memref<32x128x128xf32, #tpu.memory_space<hbm>> -> memref<1x128x128xf32, #tpu.memory_space<hbm>>
      %dma_start3A_133 = tpu.memref_squeeze %dma_start3A_132 : memref<1x128x128xf32, #tpu.memory_space<hbm>> -> memref<128x128xf32, #tpu.memory_space<hbm>>
      %dma_start3A_134 = arith.constant 0 : i32
      %dma_start3A_135 = arith.constant 0 : i32
      %dma_start3A_136 = tpu.memref_slice %arg10[%dma_start3A_134, %dma_start3A_135] : memref<129x128xf32, #tpu.memory_space<vmem>> -> memref<128x128xf32, #tpu.memory_space<vmem>>
      tpu.enqueue_dma source(%dma_start3A_136 : memref<128x128xf32, #tpu.memory_space<vmem>>) target(%dma_start3A_133 : memref<128x128xf32, #tpu.memory_space<hbm>>) target_semaphore(%run_scoped3A : memref<!tpu.dma_semaphore, #tpu.memory_space<semaphore_mem>>)
      %dma_wait3A = arith.constant 0 : i32
      %dma_wait3A_137 = arith.constant 0 : i32
      %dma_wait3A_138 = tpu.memref_slice %arg10[%dma_wait3A, %dma_wait3A_137] : memref<129x128xf32, #tpu.memory_space<vmem>> -> memref<128x128xf32, #tpu.memory_space<vmem>>
      %dma_wait3A_139 = arith.constant 0 : i32
      %dma_wait3A_140 = arith.constant 0 : i32
      %dma_wait3A_141 = tpu.memref_slice %arg5[%add3A, %dma_wait3A_139, %dma_wait3A_140] : memref<32x128x128xf32, #tpu.memory_space<hbm>> -> memref<1x128x128xf32, #tpu.memory_space<hbm>>
      %dma_wait3A_142 = tpu.memref_squeeze %dma_wait3A_141 : memref<1x128x128xf32, #tpu.memory_space<hbm>> -> memref<128x128xf32, #tpu.memory_space<hbm>>
      %dma_wait3A_143 = arith.constant 0 : i32
      %dma_wait3A_144 = arith.constant 0 : i32
      %dma_wait3A_145 = tpu.memref_slice %arg5[%add3A, %dma_wait3A_143, %dma_wait3A_144] : memref<32x128x128xf32, #tpu.memory_space<hbm>> -> memref<1x128x128xf32, #tpu.memory_space<hbm>>
      %dma_wait3A_146 = tpu.memref_squeeze %dma_wait3A_145 : memref<1x128x128xf32, #tpu.memory_space<hbm>> -> memref<128x128xf32, #tpu.memory_space<hbm>>
      %dma_wait3A_147 = arith.constant 0 : i32
      %dma_wait3A_148 = arith.constant 0 : i32
      %dma_wait3A_149 = tpu.memref_slice %arg10[%dma_wait3A_147, %dma_wait3A_148] : memref<129x128xf32, #tpu.memory_space<vmem>> -> memref<128x128xf32, #tpu.memory_space<vmem>>
      tpu.wait_dma2 semaphore(%run_scoped3A : memref<!tpu.dma_semaphore, #tpu.memory_space<semaphore_mem>>) src(%dma_wait3A_149 : memref<128x128xf32, #tpu.memory_space<vmem>>) dst(%dma_wait3A_146 : memref<128x128xf32, #tpu.memory_space<hbm>>)
      tpu.yield
    }) : () -> ()
    "tpu.region"() ({
      %run_scoped3A = tpu.sem_alloc : memref<!tpu.dma_semaphore, #tpu.memory_space<semaphore_mem>>
      %dma_start3A_123 = arith.constant 0 : i32
      %dma_start3A_124 = arith.constant 0 : i32
      %dma_start3A_125 = tpu.memref_slice %arg11[%dma_start3A_123, %dma_start3A_124] : memref<129x16xf32, #tpu.memory_space<vmem>> -> memref<128x16xf32, #tpu.memory_space<vmem>>
      %dma_start3A_126 = arith.constant 0 : i32
      %dma_start3A_127 = arith.constant 0 : i32
      %dma_start3A_128 = tpu.memref_slice %arg6[%add3A, %dma_start3A_126, %dma_start3A_127] : memref<32x128x16xf32, #tpu.memory_space<hbm>> -> memref<1x128x16xf32, #tpu.memory_space<hbm>>
      %dma_start3A_129 = tpu.memref_squeeze %dma_start3A_128 : memref<1x128x16xf32, #tpu.memory_space<hbm>> -> memref<128x16xf32, #tpu.memory_space<hbm>>
      %dma_start3A_130 = arith.constant 0 : i32
      %dma_start3A_131 = arith.constant 0 : i32
      %dma_start3A_132 = tpu.memref_slice %arg6[%add3A, %dma_start3A_130, %dma_start3A_131] : memref<32x128x16xf32, #tpu.memory_space<hbm>> -> memref<1x128x16xf32, #tpu.memory_space<hbm>>
      %dma_start3A_133 = tpu.memref_squeeze %dma_start3A_132 : memref<1x128x16xf32, #tpu.memory_space<hbm>> -> memref<128x16xf32, #tpu.memory_space<hbm>>
      %dma_start3A_134 = arith.constant 0 : i32
      %dma_start3A_135 = arith.constant 0 : i32
      %dma_start3A_136 = tpu.memref_slice %arg11[%dma_start3A_134, %dma_start3A_135] : memref<129x16xf32, #tpu.memory_space<vmem>> -> memref<128x16xf32, #tpu.memory_space<vmem>>
      tpu.enqueue_dma source(%dma_start3A_136 : memref<128x16xf32, #tpu.memory_space<vmem>>) target(%dma_start3A_133 : memref<128x16xf32, #tpu.memory_space<hbm>>) target_semaphore(%run_scoped3A : memref<!tpu.dma_semaphore, #tpu.memory_space<semaphore_mem>>)
      %dma_wait3A = arith.constant 0 : i32
      %dma_wait3A_137 = arith.constant 0 : i32
      %dma_wait3A_138 = tpu.memref_slice %arg11[%dma_wait3A, %dma_wait3A_137] : memref<129x16xf32, #tpu.memory_space<vmem>> -> memref<128x16xf32, #tpu.memory_space<vmem>>
      %dma_wait3A_139 = arith.constant 0 : i32
      %dma_wait3A_140 = arith.constant 0 : i32
      %dma_wait3A_141 = tpu.memref_slice %arg6[%add3A, %dma_wait3A_139, %dma_wait3A_140] : memref<32x128x16xf32, #tpu.memory_space<hbm>> -> memref<1x128x16xf32, #tpu.memory_space<hbm>>
      %dma_wait3A_142 = tpu.memref_squeeze %dma_wait3A_141 : memref<1x128x16xf32, #tpu.memory_space<hbm>> -> memref<128x16xf32, #tpu.memory_space<hbm>>
      %dma_wait3A_143 = arith.constant 0 : i32
      %dma_wait3A_144 = arith.constant 0 : i32
      %dma_wait3A_145 = tpu.memref_slice %arg6[%add3A, %dma_wait3A_143, %dma_wait3A_144] : memref<32x128x16xf32, #tpu.memory_space<hbm>> -> memref<1x128x16xf32, #tpu.memory_space<hbm>>
      %dma_wait3A_146 = tpu.memref_squeeze %dma_wait3A_145 : memref<1x128x16xf32, #tpu.memory_space<hbm>> -> memref<128x16xf32, #tpu.memory_space<hbm>>
      %dma_wait3A_147 = arith.constant 0 : i32
      %dma_wait3A_148 = arith.constant 0 : i32
      %dma_wait3A_149 = tpu.memref_slice %arg11[%dma_wait3A_147, %dma_wait3A_148] : memref<129x16xf32, #tpu.memory_space<vmem>> -> memref<128x16xf32, #tpu.memory_space<vmem>>
      tpu.wait_dma2 semaphore(%run_scoped3A : memref<!tpu.dma_semaphore, #tpu.memory_space<semaphore_mem>>) src(%dma_wait3A_149 : memref<128x16xf32, #tpu.memory_space<vmem>>) dst(%dma_wait3A_146 : memref<128x16xf32, #tpu.memory_space<hbm>>)
      tpu.yield
    }) : () -> ()
    return
  }
}

module attributes {stable_mosaic.version = 14 : i64} {
  func.func @_params_body(%arg0: memref<32x128x128xf32, #tpu.memory_space<vmem>>, %arg1: memref<32x128x128xf32, #tpu.memory_space<vmem>>, %arg2: memref<32x128x16xf32, #tpu.memory_space<vmem>>, %arg3: memref<1x1xf32, #tpu.memory_space<vmem>>, %arg4: memref<1x128xf32, #tpu.memory_space<vmem>>, %arg5: memref<1x128xf32, #tpu.memory_space<vmem>>, %arg6: memref<128x128xf32, #tpu.memory_space<vmem>>, %arg7: memref<128x128xf32, #tpu.memory_space<vmem>>) attributes {dimension_semantics = [], scalar_prefetch = 0 : i64, scratch_operands = 0 : i64, tpu.core_type = #tpu.core_type<tc>} {
    %get3A = arith.constant 0 : index
    %get3A_0 = arith.constant 0 : index
    %get3A_1 = arith.constant 0 : index
    %get3A_2 = vector.load %arg0[%get3A, %get3A_0, %get3A_1] : memref<32x128x128xf32, #tpu.memory_space<vmem>>, vector<32x128x128xf32>
    %reduce_sum3A = arith.constant dense<0.000000e+00> : vector<128x128xf32>
    %reduce_sum3A_3 = vector.multi_reduction <add>, %get3A_2, %reduce_sum3A [0] : vector<32x128x128xf32> to vector<128x128xf32>
    %get3A_4 = arith.constant 0 : index
    %get3A_5 = arith.constant 0 : index
    %get3A_6 = arith.constant 0 : index
    %get3A_7 = vector.load %arg1[%get3A_4, %get3A_5, %get3A_6] : memref<32x128x128xf32, #tpu.memory_space<vmem>>, vector<32x128x128xf32>
    %reduce_sum3A_8 = arith.constant dense<0.000000e+00> : vector<128x128xf32>
    %reduce_sum3A_9 = vector.multi_reduction <add>, %get3A_7, %reduce_sum3A_8 [0] : vector<32x128x128xf32> to vector<128x128xf32>
    %get3A_10 = arith.constant 0 : index
    %get3A_11 = arith.constant 0 : index
    %get3A_12 = arith.constant 0 : index
    %get3A_13 = vector.load %arg2[%get3A_10, %get3A_11, %get3A_12] : memref<32x128x16xf32, #tpu.memory_space<vmem>>, vector<32x128x16xf32>
    %reduce_sum3A_14 = arith.constant dense<0.000000e+00> : vector<128x16xf32>
    %reduce_sum3A_15 = vector.multi_reduction <add>, %get3A_13, %reduce_sum3A_14 [0] : vector<32x128x16xf32> to vector<128x16xf32>
    %slice3A = vector.extract_strided_slice %reduce_sum3A_15 {offsets = [0, 0], sizes = [128, 1], strides = [1, 1]} : vector<128x16xf32> to vector<128x1xf32>
    %jit3A = arith.constant 1.000000e+00 : f32
    %max3A = vector.broadcast %jit3A : f32 to vector<128x1xf32>
    %max3A_16 = arith.maximumf %max3A, %slice3A : vector<128x1xf32>
    %get3A_17 = arith.constant 0 : index
    %get3A_18 = arith.constant 0 : index
    %get3A_19 = vector.load %arg3[%get3A_17, %get3A_18] : memref<1x1xf32, #tpu.memory_space<vmem>>, vector<1x1xf32>
    %get3A_20 = vector.extract %get3A_19[0, 0] : f32 from vector<1x1xf32>
    %div3A = vector.broadcast %max3A_16 : vector<128x1xf32> to vector<128x128xf32>
    %div3A_21 = arith.divf %reduce_sum3A_3, %div3A : vector<128x128xf32>
    %div3A_22 = vector.broadcast %max3A_16 : vector<128x1xf32> to vector<128x128xf32>
    %div3A_23 = arith.divf %reduce_sum3A_9, %div3A_22 : vector<128x128xf32>
    %mul3A = arith.constant 2.000000e+00 : f32
    %mul3A_24 = arith.mulf %mul3A, %get3A_20 : f32
    %mul3A_25 = arith.mulf %get3A_20, %get3A_20 : f32
    %sub3A = arith.subf %mul3A_24, %mul3A_25 : f32
    %mul3A_26 = vector.broadcast %sub3A : f32 to vector<128x128xf32>
    %mul3A_27 = arith.mulf %mul3A_26, %div3A_21 : vector<128x128xf32>
    %mul3A_28 = arith.mulf %mul3A_27, %div3A_21 : vector<128x128xf32>
    %sub3A_29 = arith.subf %div3A_23, %mul3A_28 : vector<128x128xf32>
    %max3A_30 = arith.constant 0.000000e+00 : f32
    %max3A_31 = vector.broadcast %max3A_30 : f32 to vector<128x128xf32>
    %max3A_32 = arith.maximumf %sub3A_29, %max3A_31 : vector<128x128xf32>
    %add3A = arith.constant 9.99999974E-6 : f32
    %add3A_33 = vector.broadcast %add3A : f32 to vector<128x128xf32>
    %add3A_34 = arith.addf %max3A_32, %add3A_33 : vector<128x128xf32>
    %sqrt3A = math.sqrt %add3A_34 : vector<128x128xf32>
    %div3A_35 = arith.constant 1.000000e+00 : f32
    %div3A_36 = vector.broadcast %div3A_35 : f32 to vector<128x128xf32>
    %div3A_37 = arith.divf %div3A_36, %sqrt3A : vector<128x128xf32>
    %get3A_38 = arith.constant 0 : index
    %get3A_39 = arith.constant 0 : index
    %get3A_40 = vector.load %arg4[%get3A_38, %get3A_39] : memref<1x128xf32, #tpu.memory_space<vmem>>, vector<1x128xf32>
    %mul3A_41 = vector.broadcast %get3A_40 : vector<1x128xf32> to vector<128x128xf32>
    %mul3A_42 = arith.mulf %mul3A_41, %div3A_37 : vector<128x128xf32>
    %swap3A = arith.constant 0 : index
    %swap3A_43 = arith.constant 0 : index
    %swap3A_44 = vector.load %arg6[%swap3A, %swap3A_43] : memref<128x128xf32, #tpu.memory_space<vmem>>, vector<128x128xf32>
    tpu.vector_store %arg6[%swap3A, %swap3A_43], %mul3A_42 {strides = array<i32>} : memref<128x128xf32, #tpu.memory_space<vmem>>, vector<128x128xf32>,
    %get3A_45 = arith.constant 0 : index
    %get3A_46 = arith.constant 0 : index
    %get3A_47 = vector.load %arg5[%get3A_45, %get3A_46] : memref<1x128xf32, #tpu.memory_space<vmem>>, vector<1x128xf32>
    %mul3A_48 = vector.broadcast %get3A_20 : f32 to vector<128x128xf32>
    %mul3A_49 = arith.mulf %mul3A_48, %div3A_21 : vector<128x128xf32>
    %mul3A_50 = arith.mulf %mul3A_49, %mul3A_42 : vector<128x128xf32>
    %sub3A_51 = vector.broadcast %get3A_47 : vector<1x128xf32> to vector<128x128xf32>
    %sub3A_52 = arith.subf %sub3A_51, %mul3A_50 : vector<128x128xf32>
    %swap3A_53 = arith.constant 0 : index
    %swap3A_54 = arith.constant 0 : index
    %swap3A_55 = vector.load %arg7[%swap3A_53, %swap3A_54] : memref<128x128xf32, #tpu.memory_space<vmem>>, vector<128x128xf32>
    tpu.vector_store %arg7[%swap3A_53, %swap3A_54], %sub3A_52 {strides = array<i32>} : memref<128x128xf32, #tpu.memory_space<vmem>>, vector<128x128xf32>,
    return
  }
}

</mosaic_0001>

<sc_bundles>
// kernel: kernel.5.cloned.1.call-start
scs
__scs_entry_jumppad:
0x0: {  	(pc) =	sbr.rel $0x88, $3  }
0x1: {  	(tag) =	ssettag $0x0;
	lr =	simm.s32 $0x1  }
0x2: {  	[smem:$0x3F9C] =	sst lr;
	_ =	strace $0xD0000000  }
0x3: {  	_ = 	snop  }
0x4: {  	_ = 	snop  }
0x5: {  	_ = 	snop  }
0x6: {  	_ = 	snop  }
0x7: {  	_ = 	snop  }
__scs_overlays_trampoline_lowered:
0x8: {  	[smem:$0x3FAB] =	sst s0  }
0x9: {  	[smem:$0x3FAC] =	sst s1  }
0xa: {  	[smem:$0x3FAD] =	sst s2  }
0xb: {  	[smem:$0x3FAE] =	sst s3  }
0xc: {  	[smem:$0x3FAF] =	sst s4  }
0xd: {  	[smem:$0x3FB0] =	sst s5  }
0xe: {  	[smem:$0x3FB1] =	sst s6  }
0xf: {  	[smem:$0x3FB2] =	sst s7  }
0x10: {  	[smem:$0x3FB3] =	sst s8  }
0x11: {  	[smem:$0x3FB4] =	sst s9;
	s0 =	simm.s32 @!p0 $0x0  }
0x12: {  	s1 =	sld [smem:$0x3F9A];
	s0 =	simm.s32 @p0 $0x1  }
0x13: {  	[smem:$0x3FB5] =	sst s0;
	s0 =	simm.s32 @!p1 $0x0  }
0x14: {  	s2 =	sld [smem:$0x3F99];
	s0 =	simm.s32 @p1 $0x1  }
0x15: {  	[smem:$0x3FB6] =	sst s0;
	s0 =	simm.s32 @!p2 $0x0  }
0x16: {  	s3 =	sld [smem:$0x3FDB];
	s0 =	simm.s32 @p2 $0x1  }
0x17: {  	s4 =	simm.s32 $0x1BF5;
	[smem:$0x3FB8] =	sst s0  }
0x18: {  	s0 =	sld [smem:$0x3F9B];
	_ =	swait.ge [sflag:s4], $0x0  }
0x19: {  	s7 =	sld [smem:$0x3F9C]  }
0x1a: {  	s8 =	sadd.s32 $0xFFFFE003, lr  }
0x1b: {  	s9 =	sadd.s32 $0xFFFFFEF7, lr;
	s5 =	simm.s32 $0xFFFFFFFF;
	p2 =	slt.u32 s8, $0xFFFFF086  }
0x1c: {  	p1 =	slt.u32 s9, $0xF7A;
	s5 =	simm.s32 @!p2 $0x0  }
0x1d: {  	s5 =	simm.s32 @p1 $0x1;
	p0 =	seq.s32 s7, s2  }
0x1e: {  	s7 =	smul.u32 @!p0 $0xF7A, s2;
	p2 =	seq.s32 @!p0 s5, $0x0  }
0x1f: {  	s9 =	smul.u32 $0xF7A, s1;
	s8 =	simm.s32 @!p0 $0x1BF5;
	p2 =	por !p2, p0  }
0x20: {  	[sflag:s8] =	ssyncset.s32 @!p0 $0xFFFFF086;
	s6 =	sadd.s32 @!p0 s3, s7;
	s7 =	simm.s32 @!p0 $0x108  }
0x21: {  	s3 =	sadd.s32 s3, s9;
	s6 =	sadd.s32 @!p0 $0x88, s6;
	s7 =	simm.s32 @p2 $0x1082  }
0x22: {  	[simem:s7], [sflag:s8] =	dma.local @!p0 [hbm:s6], $0xF7A  }
0x23: {  	s9 =	sor.u32 $0xD0000000, s2;
	s6 =	simm.s32 $0x108;
	_ =	swait.ge @!p0 [sflag:s8], $0x0  }
0x24: {  	s3 =	sadd.s32 $0x88, s3;
	s6 =	simm.s32 @!p1 $0x1082;
	[sflag:s4] =	ssyncset.s32 $0xFFFFF086  }
0x25: {  	[simem:s6], [sflag:s4] =	dma.local [hbm:s3], $0xF7A  }
0x26: {  	[smem:$0x3F9C] =	sst s1;
	(tag) =	ssettag s2;
	_ =	strace s9  }
0x27: {  	s1 =	sld [smem:$0x3FAC]  }
0x28: {  	s2 =	sld [smem:$0x3FAD]  }
0x29: {  	s4 =	sld [smem:$0x3FAF]  }
0x2a: {  	p0 =	seq.s32 s5, $0x0;
	s5 =	sld [smem:$0x3FB0]  }
0x2b: {  	s6 =	sld [smem:$0x3FB1]  }
0x2c: {  	s7 =	sld [smem:$0x3FB2]  }
0x2d: {  	s3 =	simm.s32 $0x108;
	s8 =	sld [smem:$0x3FB3]  }
0x2e: {  	s3 =	simm.s32 @!p0 $0x1082;
	s9 =	sld [smem:$0x3FB4]  }
0x2f: {  	lr =	sadd.s32 s0, s3;
	s0 =	sld [smem:$0x3FAB]  }
0x30: {  	s3 =	sld [smem:$0x3FAE]  }
0x31: {  	[smem:$0x3FB7] =	sst s10  }
0x32: {  	s10 =	sld [smem:$0x3FB5];
	_ =	sdelay $0x3  }
0x33: {  	p0 =	seq.s32 s10, $0x1;
	s10 =	sld [smem:$0x3FB7];
	_ =	sdelay $0x3  }
0x34: {  	[smem:$0x3FB7] =	sst s10  }
0x35: {  	s10 =	sld [smem:$0x3FB6];
	_ =	sdelay $0x3  }
0x36: {  	p1 =	seq.s32 s10, $0x1;
	s10 =	sld [smem:$0x3FB7];
	_ =	sdelay $0x3  }
0x37: {  	[smem:$0x3FB7] =	sst s10  }
0x38: {  	s10 =	sld [smem:$0x3FB8]  }
0x39: {  	_ = 	snop;
	(pc) =	sbr.ind lr, $3  }
0x3a: {  	_ = 	snop  }
0x3b: {  	_ = 	snop  }
0x3c: {  	p2 =	seq.s32 s10, $0x1;
	s10 =	sld [smem:$0x3FB7]  }
0x3d: {  	_ =	shalt  }
0x3e: {  	_ =	shalt  }
0x3f: {  	_ =	shalt  }
0x40: {  	_ =	shalt  }
0x41: {  	_ =	shalt  }
0x42: {  	_ =	shalt  }
0x43: {  	_ =	shalt  }
0x44: {  	_ =	shalt  }
0x45: {  	_ =	shalt  }
0x46: {  	_ =	shalt  }
0x47: {  	_ =	shalt  }
0x48: {  	_ =	shalt  }
0x49: {  	_ =	shalt  }
0x4a: {  	_ =	shalt  }
0x4b: {  	_ =	shalt  }
0x4c: {  	_ =	shalt  }
0x4d: {  	_ =	shalt  }
0x4e: {  	_ =	shalt  }
0x4f: {  	_ =	shalt  }
0x50: {  	_ =	shalt  }
0x51: {  	_ =	shalt  }
0x52: {  	_ =	shalt  }
0x53: {  	_ =	shalt  }
0x54: {  	_ =	shalt  }
0x55: {  	_ =	shalt  }
0x56: {  	_ =	shalt  }
0x57: {  	_ =	shalt  }
0x58: {  	_ =	shalt  }
0x59: {  	_ =	shalt  }
0x5a: {  	_ =	shalt  }
0x5b: {  	_ =	shalt  }
0x5c: {  	_ =	shalt  }
0x5d: {  	_ =	shalt  }
0x5e: {  	_ =	shalt  }
0x5f: {  	_ =	shalt  }
0x60: {  	_ =	shalt  }
0x61: {  	_ =	shalt  }
0x62: {  	_ =	shalt  }
0x63: {  	_ =	shalt  }
0x64: {  	_ =	shalt  }
0x65: {  	_ =	shalt  }
0x66: {  	_ =	shalt  }
0x67: {  	_ =	shalt  }
0x68: {  	_ =	shalt  }
0x69: {  	_ =	shalt  }
0x6a: {  	_ =	shalt  }
0x6b: {  	_ =	shalt  }
0x6c: {  	_ =	shalt  }
0x6d: {  	_ =	shalt  }
0x6e: {  	_ =	shalt  }
0x6f: {  	_ =	shalt  }
0x70: {  	_ =	shalt  }
0x71: {  	_ =	shalt  }
0x72: {  	_ =	shalt  }
0x73: {  	_ =	shalt  }
0x74: {  	_ =	shalt  }
0x75: {  	_ =	shalt  }
0x76: {  	_ =	shalt  }
0x77: {  	_ =	shalt  }
0x78: {  	_ =	shalt  }
0x79: {  	_ =	shalt  }
0x7a: {  	_ =	shalt  }
0x7b: {  	_ =	shalt  }
0x7c: {  	_ =	shalt  }
0x7d: {  	_ =	shalt  }
0x7e: {  	_ =	shalt  }
0x7f: {  	_ =	shalt  }
0x80: {  	_ =	shalt  }
0x81: {  	_ =	shalt  }
0x82: {  	_ =	shalt  }
0x83: {  	_ =	shalt  }
0x84: {  	_ =	shalt  }
0x85: {  	_ =	shalt  }
0x86: {  	_ =	shalt  }
0x87: {  	_ =	shalt  }
.Lfunc_end0:
.L_simem_size_0:
called_computation_lowered:
.L_overlay_start_0:
0x88: {  	s2 =	sld [smem:$0x3FD9]  }
0x89: {  	s3 =	sld [smem:$0x3FFE];
	_ =	sdelay $0x1  }
0x8a: {  	s1 =	srdreg.scid  }
0x8b: {  	s0 =	sand.u32 $0x1, s1  }
0x8c: {  	s17 =	sshll.u32 s0, $0xA;
	s2 =	sadd.s32 s3, s2  }
0x8d: {  	s2 =	sadd.s32 s2, s17  }
0x8e: {  	[smem:$0x3FC3] =	sst s2  }
0x8f: {  	_ = 	snop  }
0x90: {  	s2 =	sld [smem:$0x3FC9]  }
0x91: {  	s18 =	sld [smem:$0x3FD0];
	(tm) =	ssettm $0x1  }
0x92: {  	s4 =	sld [smem:$0x3FFB];
	_ =	sdelay $0x3  }
0x93: {  	_ =	strace s4  }
0x94: {  	s4 =	sld [smem:$0x3FFC];
	_ =	sdelay $0x3  }
0x95: {  	_ =	strace s4  }
0x96: {  	s4 =	sld [smem:$0x3FFD];
	_ =	sdelay $0x3  }
0x97: {  	_ =	strace s4  }
0x98: {  	_ =	strace $0x8FFFFFFF  }
0x99: {  	s19 =	sld [smem:$0x3FDB];
	_ =	sdelay $0x1  }
0x9a: {  	s5 =	simm.s32 $_scs_section_size  }
0x9b: {  	s6 =	simm.s32 $_size__tile_overlayer_lowered;
	s7 =	simm.s32 $_tile_overlayer_lowered  }
0x9c: {  	s22 =	simm.s32 $0x1BFF;
	s21 =	sshll.u32 s7, $0x1;
	s4 =	sadd.s32 s5, s19  }
0x9d: {  	s8 =	simm.s32 $0x0;
	s20 =	sshll.u32 s6, $0x1;
	s6 =	sadd.s32 s21, s4  }
0x9e: {  	[timem:s8], [sflag:s22] =	dma.local [hbm:s6], s20  }
0x9f: {  	_ =	swait.ge [sflag:s22], s20  }
0xa0: {  	s5 =	ssub.s32 $0x0, s20;
	[sflag:s22] =	ssyncset.done $0x0  }
0xa1: {  	[sflag:s22] =	ssyncadd.s32 s5;
	_ =	sdelay $0x1  }
0xa2: {  	s23 =	simm.s32 $0x1B8B  }
0xa3: {  	_ =	swait.ge [sflag:s23], $0x1  }
0xa4: {  	[sflag:s23] =	ssyncset.done $0x0  }
0xa5: {  	s25 =	simm.s32 $0x1B8E;
	s24 =	sld [smem:$0x3FFE];
	[sflag:s23] =	ssyncadd.s32 $0xFFFFFFFF  }
0xa6: {  	s26 =	simm.s32 $execute0_lowered;
	[smem:$0x3FD2] =	sst s25  }
0xa7: {  	s6 =	sshll.u32 s26, $0x1;
	_ =	strace $0x80000046;
	[dreg:$0x1] =	wrdreg $0xFFFFFFFF  }
0xa8: {  	s28 =	simm.s32 $_size_execute0_lowered;
	s4 =	sadd.s32 s4, s6;
	[dreg:$0x0] =	wrdreg $0x0  }
0xa9: {  	s6 =	sshll.u32 s28, $0x1;
	[dreg:$0x2] =	wrdreg s4  }
0xaa: {  	[dreg:$0x3] =	wrdreg s6  }
0xab: {  	[dreg:$0x4] =	wrdreg $0xC0  }
0xac: {  	_ =	task [dreg:s8], $0x5FFFF  }
0xad: {  	[dreg:$0x1] =	wrdreg $0xFFFFFFFF  }
0xae: {  	[dreg:$0x0] =	wrdreg $0x60  }
0xaf: {  	[dreg:$0x2] =	wrdreg s2  }
0xb0: {  	[dreg:$0x3] =	wrdreg s24  }
0xb1: {  	[dreg:$0x4] =	wrdreg s18  }
0xb2: {  	[dreg:$0x5] =	wrdreg $0x9  }
0xb3: {  	_ =	task.clear_ibuf [dreg:s8], $0x6FFFF;
	_ =	strace $0x90000046  }
0xb4: {  	s29 =	simm.s32 $0x9;
	_ =	strace $0x80000048  }
0xb5: {  	_ =	swait.ge [sflag:s29], $0x1  }
0xb6: {  	[sflag:s29] =	ssyncadd.s32 $0xFFFFFFFF  }
0xb7: {  	_ =	strace $0x90000048  }
0xb8: {  	_ =	sfence  }
0xb9: {  	s30 =	sld [smem:$0x0];
	_ =	sdelay $0x2  }
0xba: {  	s31 =	sshll.u32 s1, $0xD;
	s1 =	sshrl.u32 s1, $0x2  }
0xbb: {  	s3 =	sand.u32 $0x4000, s31;
	s1 =	sadd.s32 s1, s30  }
0xbc: {  	s0 =	sor.u32 s3, s0;
	s1 =	sshll.u32 s1, $0x11  }
0xbd: {  	s0 =	sor.u32 s1, s0  }
0xbe: {  	s0 =	sadd.s32 $0x8F2B, s0  }
0xbf: {  	[sflag:s0] =	ssyncadd.remote.s32 $0x1  }
0xc0: {  	_ =	sfence.sel $0xFFFF  }
0xc1: {  	[dreg:$0x0] =	wrdreg $0xFFFFFFFF;
	(pc) =	sbr.abs _section_cstart, $3  }
0xc2: {  	[dreg:$0x1] =	wrdreg $0xFFFFFFFF  }
0xc3: {  	_ =	task.clear_ibuf [dreg:s8], $0x2FFFF;
	_ =	strace $0x9FFFFFFF  }
0xc4: {  	(tm) =	ssettm $0x7FFFFFFF  }
0xc5: {  	_ =	shalt  }
tec
execute0_lowered:
.L_overlay_start_1:
0x0: {  	(tag) =	ssettag $0x1  }
0x1: {  	s1 =	rddreg [dreg:$0x0]  }
0x2: {  	s0 =	rddreg [dreg:$0x1]  }
0x3: {  	s2 =	rddreg [dreg:$0x2];
	s3 =	srdreg.scid  }
0x4: {  	s14 =	stileid.u32;
	s19 =	simm.s32 $0x3;
	s6 =	sand.u32 $0x1, s3  }
0x5: {  	s21 =	simm.s32 $0x10700;
	s22 =	simm.s32 $0x0;
	s4 =	sshll.u32 s6, $0x4  }
0x6: {  	s3 =	simm.s32 $0x0;
	s7 =	sor.u32 s14, s4;
	s14 =	smul.u32 $0x5, s14  }
0x7: {  	s5 =	sadd.s32 $0x1C00, s0;
	[smem:$0x7FF] =	sst s3;
	s4 =	smul.u32 $0x19, s7  }
0x8: {  	s6 =	ssub.s32 $0x2, s6;
	_ =	strace $0x80000047;
	s8 =	smul.u32 $0xC35, s7  }
0x9: {  	s11 =	sshrl.u32 s6, $0x1;
	s10 =	sshll.u32 s7, $0xB;
	s7 =	smul.u32 $0xC350, s7  }
0xa: {  	s13 =	ssub.s32 s6, s11;
	s0 =	sadd.s32 s10, s0;
	s9 =	sadd.s32 $0x1, s4  }
0xb: {  	s10 =	sadd.s32 s2, s10;
	s13 =	smax.u32 s13, $0x1;
	s12 =	smul.u32 $0x7D, s9  }
0xc: {  	s8 =	sshrl.u32 s8, $0x3;
	s6 =	sadd.s32 s1, s7;
	s9 =	smul.u32 $0x7D0, s9  }
0xd: {  	s11 =	sadd.s32 $0x4E00, s0;
	s7 =	sadd.s32 s5, s8;
	s31 =	sshrl.u32 s12, $0x3  }
0xe: {  	v0 =	vimm.f32 $0.0e+00;
	s8 =	sadd.s32 s1, s9;
	s12 =	sadd.s32 $0x14E00, s0;
	s9 =	sadd.s32 s5, s31  }
.LBB2_1:
0xf: {  	s0 =	simm.s32 $0x0  }
.LBB2_2:
0x10: {  	p0 =	sne.s32 s0, $0x101C0  }
.Ltmp0:
0x11: {  	_ = 	snop;
	(pc) =	sbr.rel @p0 .LBB2_2-.Ltmp0, $4  }
0x12: {  	_ = 	snop  }
0x13: {  	s2 =	sshra.s32 s0, $0x2  }
0x14: {  	[tilespmem:s2+$0x7F00] =	vst v0  }
0x15: {  	s0 =	sadd.s32 $0x40, s0;
	[tilespmem:s2+$0xC300] =	vst v0  }
0x16: {  	s0 =	simm.s32 $0x200;
	s2 =	simm.s32 $0x0  }
.LBB2_4:
0x17: {  	p0 =	sne.s32 s0, $0x10000;
	[tilespmem:s2+$0x10700] =	vst v0;
	s2 =	smov.u32 s0;
	s0 =	sadd.s32 $0x200, s0  }
.Ltmp1:
0x18: {  	(pc) =	sbr.rel @p0 .LBB2_4-.Ltmp1, $2  }
0x19: {  	_ =	sdelay $0x2  }
0x1a: {  	s2 =	sshra.s32 s2, $0x2  }
0x1b: {  	[tilespmem:s2+$0x10700] =	vst v0;
	s23 =	simm.s32 $0x0  }
0x1c: {  	[tilespmem:s23], [sflag:$0x1] =	stream.linear.gather [hbm4b:s6+s23], $0x3E80, $0x38;
	[tilespmem:$0x14B00] =	vst v63  }
0x1d: {  	s0 =	simm.s32 $0x7D00;
	v10 =	vimm.f32 $0.0e+00;
	s30 =	simm.s32 $0x3E80  }
0x1e: {  	v16 =	vimm.f32 $0.0e+00;
	v15 =	vimm.f32 $0.0e+00;
	v9 =	vimm.f32 $0.0e+00;
	[tilespmem:s0], [sflag:$0x1] =	stream.linear.gather [hbm4b:s7+s23], $0x100, $0x38;
	[tilespmem:$0x14B00] =	vst v63  }
0x1f: {  	v3 =	vimm.f32 $0.0e+00;
	v12 =	vimm.f32 $0.0e+00;
	v18 =	vimm.f32 $0.0e+00;
	s31 =	simm.s32 $0x7E00;
	p0 =	por $0x0, $0x0;
	s24 =	smov.u32 s14  }
0x20: {  	v6 =	vimm.f32 $0.0e+00;
	v13 =	vimm.f32 $0.0e+00;
	v11 =	vimm.f32 $0.0e+00;
	[tilespmem:s30], [sflag:$0x2] =	stream.linear.gather [hbm4b:s8+s23], $0x3E80, $0x38;
	[tilespmem:$0x14B00] =	vst v63  }
0x21: {  	v2 =	vimm.f32 $0.0e+00;
	v1 =	vimm.f32 $0.0e+00;
	v8 =	vimm.f32 $0.0e+00;
	s28 =	simm.s32 $0x0;
	s25 =	simm.s32 $0x0;
	s0 =	simm.s32 $0x80  }
0x22: {  	v19 =	vimm.f32 $0.0e+00;
	v4 =	vimm.f32 $0.0e+00;
	v5 =	vimm.f32 $0.0e+00;
	[tilespmem:s31], [sflag:$0x2] =	stream.linear.gather [hbm4b:s9+s23], $0x100, $0x38;
	[tilespmem:$0x14B00] =	vst v63  }
.LBB2_6:
0x23: {  	s26 =	sand.u32 $0x1, s25  }
0x24: {  	p1 =	seq.s32 s26, $0x1  }
0x25: {  	s2 =	simm.s32 @!p1 $0x1  }
0x26: {  	_ =	swait.ge @!p1 [sflag:s2], $0x3E80  }
0x27: {  	[sflag:s2] =	ssyncset.done @!p1 $0x0  }
0x28: {  	s15 =	simm.s32 $0x1;
	[sflag:s2] =	ssyncadd.s32 @!p1 $0xFFFFC180  }
0x29: {  	s16 =	sand.u32 $0x7, s24;
	s15 =	simm.s32 @!p0 $0x0;
	_ =	swait.ge @!p1 [sflag:s2], $0x100  }
0x2a: {  	p2 =	seq.s32 s26, $0x0;
	s29 =	sshll.u32 s15, $0x8;
	[sflag:s2] =	ssyncset.done @!p1 $0x0  }
0x2b: {  	s16 =	sor.u32 s16, s29;
	[sflag:s2] =	ssyncadd.s32 @!p1 $0xFFFFFF00;
	s2 =	simm.s32 @!p2 $0x2  }
0x2c: {  	s16 =	sadd.s32 $0x7D00, s16;
	_ =	swait.ge @!p2 [sflag:s2], $0x3E80  }
0x2d: {  	v7 =	vmov s16;
	[sflag:s2] =	ssyncset.done @!p2 $0x0  }
0x2e: {  	[sflag:s2] =	ssyncadd.s32 @!p2 $0xFFFFC180  }
0x2f: {  	_ =	swait.ge @!p2 [sflag:s2], $0x100  }
0x30: {  	[sflag:s2] =	ssyncset.done @!p2 $0x0  }
0x31: {  	s17 =	simm.s32 $0x0;
	[sflag:s2] =	ssyncadd.s32 @!p2 $0xFFFFFF00  }
0x32: {  	v14 =	vld.idx.msk [tilespmem:v7+s17+$0x0 ss:$0x1], $0xffff;
	_ =	sdelay $0x4  }
0x33: {  	(v2sf) =	vpush v14, $0x0;
	_ =	sdelay $0xe  }
0x34: {  	s31 =	spop (v2sf)  }
0x35: {  	p2 =	seq.s32 s31, s0  }
0x36: {  	s2 =	sshll.u32 @!p2 s0, $0x7  }
0x37: {  	[tilespmem:s2+$0x7F60] =	vst @!p2 v11  }
0x38: {  	[tilespmem:s2+$0xC370] =	vst @!p2 v10  }
0x39: {  	[tilespmem:s2+$0x7F70] =	vst @!p2 v13  }
0x3a: {  	[tilespmem:s2+$0xC360] =	vst @!p2 v16  }
0x3b: {  	[tilespmem:s2+$0x7F20] =	vst @!p2 v19  }
0x3c: {  	[tilespmem:s2+$0xC350] =	vst @!p2 v15  }
0x3d: {  	[tilespmem:s2+$0x7F30] =	vst @!p2 v8  }
0x3e: {  	[tilespmem:s2+$0xC330] =	vst @!p2 v3  }
0x3f: {  	[tilespmem:s2+$0x7F40] =	vst @!p2 v1  }
0x40: {  	[tilespmem:s2+$0xC340] =	vst @!p2 v9  }
0x41: {  	[tilespmem:s2+$0xC320] =	vst @!p2 v12  }
0x42: {  	[tilespmem:s2+$0x7F50] =	vst @!p2 v2  }
0x43: {  	s0 =	ssub.s32 @!p2 s23, s28;
	[tilespmem:s2+$0x7F00] =	vst @!p2 v5  }
0x44: {  	s18 =	smul.u32 $0xFA00, s15;
	s0 =	scvt.s32.f32 @!p2 s0;
	[tilespmem:s2+$0x7F10] =	vst @!p2 v4  }
0x45: {  	[tilespmem:s2+$0xC310] =	vst @!p2 v18  }
0x46: {  	[tilespmem:s2+$0xC300] =	vst @!p2 v6;
	v14 =	vmov @!p2 s0;
	s0 =	sshrl.u32 s18, $0x2  }
0x47: {  	[tilespmem:s2+$0x10700] =	vst @!p2 v14;
	s0 =	sor.u32 $0x40, s0  }
0x48: {  	v20 =	vld [tilespmem:s0+$0xFFFFFFC0]  }
0x49: {  	s20 =	simm.s32 $0x1;
	v14 =	vld [tilespmem:s0+$0xFFFFFFD0]  }
0x4a: {  	v17 =	vpsel !p2, $0x0, v10;
	v22 =	vpsel !p2, $0x0, v13;
	v23 =	vld.idx.msk [tilespmem:v7+s20+$0x0 ss:$0x1], $0xffff  }
0x4b: {  	v8 =	vpsel !p2, $0x0, v8;
	v10 =	vpsel !p2, $0x0, v18;
	v18 =	vpsel !p2, $0x0, v16;
	v16 =	vld [tilespmem:s0+$0xFFFFFFE0]  }
0x4c: {  	v12 =	vpsel !p2, $0x0, v12;
	v5 =	vpsel !p2, $0x0, v5;
	v19 =	vpsel !p2, $0x0, v19;
	v21 =	vld [tilespmem:s0+$0xFFFFFFF0]  }
0x4d: {  	s29 =	smov.u32 s23;
	v15 =	vpsel !p2, $0x0, v15;
	v4 =	vpsel !p2, $0x0, v4;
	v13 =	vld [tilespmem:s0+$0x10];
	v24 =	vmul.f32 v20, v20  }
0x4e: {  	s15 =	sadd.s32 $0x1, s23;
	s29 =	smov.u32 @p2 s28;
	v6 =	vpsel !p2, $0x0, v6;
	v11 =	vpsel !p2, $0x0, v11;
	v5 =	vadd.f32 v20, v5;
	v20 =	vld [tilespmem:s0+$0x0]  }
0x4f: {  	s28 =	smov.u32 s15;
	v9 =	vpsel !p2, $0x0, v9;
	s2 =	simm.s32 $0x8;
	s30 =	sadd.s32 $0x80, s0;
	v4 =	vadd.f32 v14, v4;
	v6 =	vadd.f32 v24, v6;
	v24 =	vld [tilespmem:s0+$0x20]  }
.LBB2_7:
0x50: {  	s17 =	smov.u32 s29;
	s28 =	sadd.s32 $0x1, s28;
	s16 =	smov.u32 s2  }
0x51: {  	v2 =	vpsel !p2, $0x0, v2;
	v3 =	vpsel !p2, $0x0, v3;
	s2 =	sadd.s32 $0x4, s2;
	(v2sf) =	vpush v23, $0x0;
	v23 =	vld [tilespmem:s0+$0x30];
	s0 =	smov.u32 s30;
	s30 =	sadd.s32 $0x80, s30  }
0x52: {  	v1 =	vpsel !p2, $0x0, v1;
	p3 =	sne.s32 s2, $0x1F4;
	v25 =	vadd.f32 v21, v8;
	v8 =	vmul.f32 v21, v21  }
0x53: {  	v14 =	vmul.f32 v14, v14;
	v1 =	vadd.f32 v20, v1;
	v20 =	vmul.f32 v20, v20  }
0x54: {  	v3 =	vadd.f32 v8, v3;
	v2 =	vadd.f32 v13, v2;
	v8 =	vmul.f32 v13, v13  }
0x55: {  	v9 =	vadd.f32 v20, v9;
	v11 =	vadd.f32 v24, v11;
	v13 =	vmul.f32 v24, v24  }
0x56: {  	v20 =	vmul.f32 v16, v16;
	v15 =	vadd.f32 v8, v15;
	v22 =	vadd.f32 v23, v22  }
0x57: {  	v19 =	vadd.f32 v16, v19;
	v13 =	vadd.f32 v13, v18;
	v8 =	vmul.f32 v23, v23  }
0x58: {  	s16 =	sshra.s32 s16, $0x2;
	v10 =	vadd.f32 v14, v10;
	v12 =	vadd.f32 v20, v12  }
0x59: {  	v16 =	vadd.f32 v8, v17;
	_ =	sdelay $0x6  }
0x5a: {  	s18 =	spop (v2sf)  }
0x5b: {  	p2 =	seq.s32 s18, s31  }
0x5c: {  	s20 =	sshll.u32 @!p2 s31, $0x7;
	s31 =	ssub.s32 @!p2 s15, s29;
	s29 =	smov.u32 s15  }
0x5d: {  	v8 =	vpsel !p2, $0x0, v25;
	s29 =	smov.u32 @p2 s17  }
0x5e: {  	s15 =	smov.u32 s28;
	s17 =	scvt.s32.f32 @!p2 s31;
	s31 =	smov.u32 s18;
	[tilespmem:s20+$0x7F60] =	vst @!p2 v11  }
0x5f: {  	[tilespmem:s20+$0xC370] =	vst @!p2 v16  }
0x60: {  	v14 =	vmov @!p2 s17;
	[tilespmem:s20+$0x7F70] =	vst @!p2 v22  }
0x61: {  	[tilespmem:s20+$0x10700] =	vst @!p2 v14  }
0x62: {  	[tilespmem:s20+$0xC360] =	vst @!p2 v13  }
0x63: {  	[tilespmem:s20+$0x7F20] =	vst @!p2 v19  }
0x64: {  	[tilespmem:s20+$0xC350] =	vst @!p2 v15  }
0x65: {  	[tilespmem:s20+$0x7F30] =	vst @!p2 v25  }
0x66: {  	[tilespmem:s20+$0xC330] =	vst @!p2 v3  }
0x67: {  	[tilespmem:s20+$0x7F40] =	vst @!p2 v1  }
0x68: {  	[tilespmem:s20+$0xC340] =	vst @!p2 v9  }
0x69: {  	[tilespmem:s20+$0xC320] =	vst @!p2 v12  }
0x6a: {  	[tilespmem:s20+$0x7F50] =	vst @!p2 v2  }
0x6b: {  	[tilespmem:s20+$0x7F00] =	vst @!p2 v5  }
0x6c: {  	[tilespmem:s20+$0x7F10] =	vst @!p2 v4  }
0x6d: {  	[tilespmem:s20+$0xC310] =	vst @!p2 v10  }
0x6e: {  	[tilespmem:s20+$0xC300] =	vst @!p2 v6  }
0x6f: {  	v20 =	vld [tilespmem:s0+$0xFFFFFFC0]  }
0x70: {  	v14 =	vld [tilespmem:s0+$0xFFFFFFD0]  }
0x71: {  	v17 =	vpsel !p2, $0x0, v16;
	v23 =	vld.idx.msk [tilespmem:v7+s16+$0x0 ss:$0x1], $0xffff  }
.Ltmp2:
0x72: {  	v18 =	vpsel !p2, $0x0, v13;
	v12 =	vpsel !p2, $0x0, v12;
	v10 =	vpsel !p2, $0x0, v10;
	v16 =	vld [tilespmem:s0+$0xFFFFFFE0];
	(pc) =	sbr.rel @p3 .LBB2_7-.Ltmp2, $4  }
0x73: {  	v19 =	vpsel !p2, $0x0, v19;
	v15 =	vpsel !p2, $0x0, v15;
	v5 =	vpsel !p2, $0x0, v5;
	v21 =	vld [tilespmem:s0+$0xFFFFFFF0]  }
0x74: {  	v4 =	vpsel !p2, $0x0, v4;
	v5 =	vadd.f32 v20, v5;
	v24 =	vmul.f32 v20, v20;
	v20 =	vld [tilespmem:s0+$0x0]  }
0x75: {  	v22 =	vpsel !p2, $0x0, v22;
	v6 =	vpsel !p2, $0x0, v6;
	v4 =	vadd.f32 v14, v4;
	v13 =	vld [tilespmem:s0+$0x10]  }
0x76: {  	v11 =	vpsel !p2, $0x0, v11;
	v9 =	vpsel !p2, $0x0, v9;
	v6 =	vadd.f32 v24, v6;
	v24 =	vld [tilespmem:s0+$0x20]  }
0x77: {  	(v2sf) =	vpush v23, $0x0;
	_ =	sdelay $0x9  }
0x78: {  	v7 =	vld [tilespmem:s0+$0x30];
	_ =	sdelay $0x4  }
0x79: {  	v54 =	vmul.f32 v7, v7;
	s0 =	spop (v2sf)  }
0x7a: {  	v11 =	vadd.f32 v24, v11;
	p3 =	seq.s32 s0, s31  }
0x7b: {  	v55 =	vmul.f32 v24, v24;
	v17 =	vadd.f32 v54, v17;
	s2 =	sshll.u32 @!p3 s31, $0x7  }
0x7c: {  	v7 =	vadd.f32 v7, v22;
	[tilespmem:s2+$0x7F60] =	vst @!p3 v11  }
0x7d: {  	v56 =	vmul.f32 v13, v13;
	v18 =	vadd.f32 v55, v18;
	[tilespmem:s2+$0xC370] =	vst @!p3 v17  }
0x7e: {  	v19 =	vadd.f32 v16, v19;
	[tilespmem:s2+$0x7F70] =	vst @!p3 v7  }
0x7f: {  	v57 =	vmul.f32 v21, v21;
	v15 =	vadd.f32 v56, v15;
	[tilespmem:s2+$0xC360] =	vst @!p3 v18  }
0x80: {  	v3 =	vpsel !p2, $0x0, v3;
	v8 =	vadd.f32 v21, v8;
	[tilespmem:s2+$0x7F20] =	vst @!p3 v19  }
0x81: {  	v1 =	vpsel !p2, $0x0, v1;
	v58 =	vmul.f32 v20, v20;
	v3 =	vadd.f32 v57, v3;
	[tilespmem:s2+$0xC350] =	vst @!p3 v15  }
0x82: {  	v16 =	vmul.f32 v16, v16;
	v1 =	vadd.f32 v20, v1;
	[tilespmem:s2+$0x7F30] =	vst @!p3 v8  }
0x83: {  	v9 =	vadd.f32 v58, v9;
	[tilespmem:s2+$0xC330] =	vst @!p3 v3  }
0x84: {  	v2 =	vpsel !p2, $0x0, v2;
	v12 =	vadd.f32 v16, v12;
	[tilespmem:s2+$0x7F40] =	vst @!p3 v1  }
0x85: {  	v2 =	vadd.f32 v13, v2;
	[tilespmem:s2+$0xC340] =	vst @!p3 v9  }
0x86: {  	v13 =	vmul.f32 v14, v14;
	[tilespmem:s2+$0xC320] =	vst @!p3 v12  }
0x87: {  	[tilespmem:s2+$0x7F50] =	vst @!p3 v2  }
0x88: {  	v10 =	vadd.f32 v13, v10;
	s16 =	ssub.s32 @!p3 s15, s29;
	[tilespmem:s2+$0x7F00] =	vst @!p3 v5  }
0x89: {  	s16 =	scvt.s32.f32 @!p3 s16;
	[tilespmem:s2+$0x7F10] =	vst @!p3 v4  }
0x8a: {  	[tilespmem:s2+$0xC310] =	vst @!p3 v10  }
0x8b: {  	[tilespmem:s2+$0xC300] =	vst @!p3 v6;
	v23 =	vmov @!p3 s16  }
0x8c: {  	p2 =	sgt.u32 s25, $0x16;
	[tilespmem:s2+$0x10700] =	vst @!p3 v23  }
0x8d: {  	p4 =	sne.s32 @!p2 s26, $0x0;
	v13 =	vld [tilespmem:s30+$0xFFFFFFC0]  }
0x8e: {  	p4 =	por p4, p2;
	s2 =	sadd.s32 $0x2, s25;
	v14 =	vld [tilespmem:s30+$0xFFFFFFD0]  }
0x8f: {  	v16 =	vld [tilespmem:s30+$0xFFFFFFE0];
	s16 =	sadd.s32 @!p4 s4, s2  }
0x90: {  	v20 =	vld [tilespmem:s30+$0xFFFFFFF0];
	s17 =	smul.u32 @!p4 $0x7D0, s16  }
0x91: {  	p1 =	por !p1, !p1;
	v59 =	vld [tilespmem:s30+$0x0];
	s16 =	smul.u32 @!p4 $0x7D, s16  }
0x92: {  	p1 =	por p2, p1;
	v60 =	vld [tilespmem:s30+$0x10]  }
0x93: {  	s18 =	simm.s32 @!p4 $0x0;
	v61 =	vld [tilespmem:s30+$0x20];
	s17 =	sadd.s32 @!p4 s1, s17;
	s16 =	sshrl.u32 @!p4 s16, $0x3  }
0x94: {  	v62 =	vld [tilespmem:s30+$0x30];
	[tilespmem:s18], [sflag:$0x1] =	stream.linear.gather @!p4 [hbm4b:s17+s18], $0x3E80, $0x38  }
0x95: {  	s2 =	sadd.s32 @!p1 s4, s2;
	s16 =	sadd.s32 @!p4 s5, s16;
	s17 =	simm.s32 @!p4 $0x7D00  }
0x96: {  	v5 =	vpsel !p3, $0x0, v5;
	v6 =	vpsel !p3, $0x0, v6;
	[tilespmem:s17], [sflag:$0x1] =	stream.linear.gather @!p4 [hbm4b:s16+s18], $0x100, $0x38;
	[tilespmem:$0x14B00] =	vst v63  }
0x97: {  	v8 =	vpsel !p3, $0x0, v8;
	v17 =	vpsel !p3, $0x0, v17;
	v18 =	vpsel !p3, $0x0, v18;
	s16 =	smul.u32 @!p1 $0x7D0, s2  }
0x98: {  	v19 =	vpsel !p3, $0x0, v19;
	v4 =	vpsel !p3, $0x0, v4;
	v7 =	vpsel !p3, $0x0, v7;
	s2 =	smul.u32 @!p1 $0x7D, s2  }
0x99: {  	v11 =	vpsel !p3, $0x0, v11;
	v9 =	vpsel !p3, $0x0, v9;
	v2 =	vpsel !p3, $0x0, v2;
	s17 =	simm.s32 @!p1 $0x0  }
0x9a: {  	v1 =	vpsel !p3, $0x0, v1;
	v3 =	vpsel !p3, $0x0, v3;
	v12 =	vpsel !p3, $0x0, v12;
	s18 =	simm.s32 @!p1 $0x3E80;
	s16 =	sadd.s32 @!p1 s1, s16;
	s2 =	sshrl.u32 @!p1 s2, $0x3  }
0x9b: {  	v25 =	vmul.f32 v13, v13;
	v5 =	vadd.f32 v13, v5;
	v13 =	vpsel !p3, $0x0, v15;
	[tilespmem:s18], [sflag:$0x2] =	stream.linear.gather @!p1 [hbm4b:s16+s17], $0x3E80, $0x38;
	[tilespmem:$0x14B00] =	vst v63  }
0x9c: {  	s25 =	sadd.s32 $0x1, s25;
	v4 =	vadd.f32 v14, v4;
	v8 =	vadd.f32 v20, v8;
	v15 =	vmul.f32 v20, v20;
	s2 =	sadd.s32 @!p1 s5, s2;
	s16 =	simm.s32 @!p1 $0x7E00  }
0x9d: {  	v1 =	vadd.f32 v59, v1;
	v20 =	vmul.f32 v59, v59;
	v2 =	vadd.f32 v60, v2;
	[tilespmem:s16], [sflag:$0x2] =	stream.linear.gather @!p1 [hbm4b:s2+s17], $0x100, $0x38;
	[tilespmem:$0x14B00] =	vst v63  }
0x9e: {  	v14 =	vmul.f32 v14, v14;
	v11 =	vadd.f32 v61, v11;
	v63 =	vmul.f32 v16, v16;
	p1 =	sne.s32 s25, $0x19  }
.Ltmp3:
0x9f: {  	v19 =	vadd.f32 v16, v19;
	v3 =	vadd.f32 v15, v3;
	v15 =	vmul.f32 v60, v60;
	(pc) =	sbr.rel @p1 .LBB2_6-.Ltmp3, $4  }
0xa0: {  	v6 =	vadd.f32 v25, v6;
	v9 =	vadd.f32 v20, v9;
	v20 =	vmul.f32 v61, v61  }
0xa1: {  	v15 =	vadd.f32 v15, v13;
	v13 =	vadd.f32 v62, v7;
	v7 =	vmul.f32 v62, v62  }
0xa2: {  	s28 =	smov.u32 s15;
	s23 =	sadd.s32 $0x7D, s23;
	v10 =	vpsel !p3, $0x0, v10;
	v12 =	vadd.f32 v63, v12;
	v16 =	vadd.f32 v20, v18  }
0xa3: {  	p0 =	por !p0, !p0;
	s24 =	sadd.s32 $0x5, s24;
	s28 =	smov.u32 @p3 s29;
	v18 =	vadd.f32 v14, v10;
	v10 =	vadd.f32 v7, v17  }
0xa4: {  	s0 =	sshll.u32 s0, $0x7  }
0xa5: {  	[tilespmem:s0+$0x7F00] =	vst v5  }
0xa6: {  	[tilespmem:s0+$0xC300] =	vst v6  }
0xa7: {  	[tilespmem:s0+$0x7F10] =	vst v4  }
0xa8: {  	[tilespmem:s0+$0xC310] =	vst v18  }
0xa9: {  	[tilespmem:s0+$0x7F20] =	vst v19  }
0xaa: {  	[tilespmem:s0+$0xC320] =	vst v12  }
0xab: {  	[tilespmem:s0+$0x7F30] =	vst v8  }
0xac: {  	[tilespmem:s0+$0xC330] =	vst v3  }
0xad: {  	[tilespmem:s0+$0x7F40] =	vst v1  }
0xae: {  	[tilespmem:s0+$0xC340] =	vst v9  }
0xaf: {  	[tilespmem:s0+$0x7F50] =	vst v2  }
0xb0: {  	[tilespmem:s0+$0xC350] =	vst v15  }
0xb1: {  	s2 =	ssub.s32 $0xC35, s28;
	[tilespmem:s0+$0x7F60] =	vst v11  }
0xb2: {  	[tilespmem:s0+$0xC360] =	vst v16;
	s2 =	scvt.s32.f32 s2  }
0xb3: {  	[tilespmem:s0+$0x7F70] =	vst v13  }
0xb4: {  	[tilespmem:s0+$0xC370] =	vst v10;
	v1 =	vmov s2  }
0xb5: {  	s30 =	simm.s32 $0x7F00;
	[tilespmem:s0+$0x10700] =	vst v1  }
0xb6: {  	[hbm4b:s10+s3] =	stream.linear.scatter [tilespmem:s30], [sflag:$0x3], $0x4000, $0x38;
	[tilespmem:$0x14B00] =	vst v63  }
0xb7: {  	_ =	swait.ge [sflag:s19], $0x4000  }
0xb8: {  	[sflag:s19] =	ssyncset.done $0x0  }
0xb9: {  	s31 =	simm.s32 $0xC300;
	[sflag:s19] =	ssyncadd.s32 $0xFFFFC000  }
0xba: {  	[hbm4b:s11+s3] =	stream.linear.scatter [tilespmem:s31], [sflag:$0x3], $0x4000, $0x38;
	[tilespmem:$0x14B00] =	vst v63  }
0xbb: {  	s22 =	sadd.s32 $0x1, s22;
	_ =	swait.ge [sflag:s19], $0x4000  }
0xbc: {  	p0 =	sne.s32 s22, s13;
	[sflag:s19] =	ssyncset.done $0x0  }
.Ltmp4:
0xbd: {  	[sflag:s19] =	ssyncadd.s32 $0xFFFFC000;
	(pc) =	sbr.rel @p0 .LBB2_1-.Ltmp4, $4  }
0xbe: {  	[hbm4b:s12+s3] =	stream.linear.scatter [tilespmem:s21], [sflag:$0x3], $0x4000, $0x38;
	[tilespmem:$0x14B00] =	vst v63  }
0xbf: {  	_ =	swait.ge [sflag:s19], $0x4000  }
0xc0: {  	[sflag:s19] =	ssyncset.done $0x0  }
0xc1: {  	[sflag:s19] =	ssyncadd.s32 $0xFFFFC000  }
0xc2: {  	_ =	sfence.sel $0x180000  }
0xc3: {  	[bflag:$0x0] =	sbarrier.arrive $0xFFFF  }
0xc4: {  	_ =	strace $0x90000047  }
0xc5: {  	s0 =	stileid.u32;
	[bflag:$0x2] =	sbarrier.arrive $0xFFFF  }
0xc6: {  	p0 =	sne.s32 s0, $0x0;
	s0 =	rddreg [dreg:$0x3]  }
0xc7: {  	s0 =	sadd.s32 @!p0 $0x100000, s0  }
0xc8: {  	[sflag:s0] =	ssyncadd.tile.s32 @!p0 $0x1;
	_ =	shalt  }
.Lfunc_end2:
_tile_overlayer_lowered:
.L_overlay_start_2:
0xc9: {  	(tag) =	ssettag $0x2  }
0xca: {  	s0 =	rddreg [dreg:$0x0];
	s2 =	stileid.u32  }
0xcb: {  	s1 =	rddreg [dreg:$0x1];
	p0 =	sne.s32 s2, $0x0  }
0xcc: {  	s3 =	rddreg [dreg:$0x2];
	[bflag:$0x3] =	sbarrier.arrive $0xFFFF;
	s2 =	simm.s32 @!p0 $0x1C03  }
0xcd: {  	[timem:s3], [sflag:s2] =	dma.local @!p0 [hbm:s0], s1  }
0xce: {  	s0 =	simm.s32 @!p0 $0x3  }
0xcf: {  	_ =	swait.ge @!p0 [sflag:s0], s1  }
0xd0: {  	s1 =	ssub.s32 @!p0 $0x0, s1;
	[sflag:s0] =	ssyncset.done @!p0 $0x0  }
0xd1: {  	[sflag:s0] =	ssyncadd.s32 @!p0 s1  }
0xd2: {  	[bflag:$0x3] =	sbarrier.arrive $0xFFFF  }
0xd3: {  	_ =	shalt  }

// kernel: kernel.8.cloned.1.call-start
scs
__scs_entry_jumppad:
0x0: {  	(pc) =	sbr.rel $0x88, $3  }
0x1: {  	(tag) =	ssettag $0x0;
	lr =	simm.s32 $0x1  }
0x2: {  	[smem:$0x3F9C] =	sst lr;
	_ =	strace $0xD0000000  }
0x3: {  	_ = 	snop  }
0x4: {  	_ = 	snop  }
0x5: {  	_ = 	snop  }
0x6: {  	_ = 	snop  }
0x7: {  	_ = 	snop  }
__scs_overlays_trampoline_lowered:
0x8: {  	[smem:$0x3FAB] =	sst s0  }
0x9: {  	[smem:$0x3FAC] =	sst s1  }
0xa: {  	[smem:$0x3FAD] =	sst s2  }
0xb: {  	[smem:$0x3FAE] =	sst s3  }
0xc: {  	[smem:$0x3FAF] =	sst s4  }
0xd: {  	[smem:$0x3FB0] =	sst s5  }
0xe: {  	[smem:$0x3FB1] =	sst s6  }
0xf: {  	[smem:$0x3FB2] =	sst s7  }
0x10: {  	[smem:$0x3FB3] =	sst s8  }
0x11: {  	[smem:$0x3FB4] =	sst s9;
	s0 =	simm.s32 @!p0 $0x0  }
0x12: {  	s1 =	sld [smem:$0x3F9A];
	s0 =	simm.s32 @p0 $0x1  }
0x13: {  	[smem:$0x3FB5] =	sst s0;
	s0 =	simm.s32 @!p1 $0x0  }
0x14: {  	s2 =	sld [smem:$0x3F99];
	s0 =	simm.s32 @p1 $0x1  }
0x15: {  	[smem:$0x3FB6] =	sst s0;
	s0 =	simm.s32 @!p2 $0x0  }
0x16: {  	s3 =	sld [smem:$0x3FDB];
	s0 =	simm.s32 @p2 $0x1  }
0x17: {  	s4 =	simm.s32 $0x1BF5;
	[smem:$0x3FB8] =	sst s0  }
0x18: {  	s0 =	sld [smem:$0x3F9B];
	_ =	swait.ge [sflag:s4], $0x0  }
0x19: {  	s7 =	sld [smem:$0x3F9C]  }
0x1a: {  	s8 =	sadd.s32 $0xFFFFE003, lr  }
0x1b: {  	s9 =	sadd.s32 $0xFFFFFEF7, lr;
	s5 =	simm.s32 $0xFFFFFFFF;
	p2 =	slt.u32 s8, $0xFFFFF086  }
0x1c: {  	p1 =	slt.u32 s9, $0xF7A;
	s5 =	simm.s32 @!p2 $0x0  }
0x1d: {  	s5 =	simm.s32 @p1 $0x1;
	p0 =	seq.s32 s7, s2  }
0x1e: {  	s7 =	smul.u32 @!p0 $0xF7A, s2;
	p2 =	seq.s32 @!p0 s5, $0x0  }
0x1f: {  	s9 =	smul.u32 $0xF7A, s1;
	s8 =	simm.s32 @!p0 $0x1BF5;
	p2 =	por !p2, p0  }
0x20: {  	[sflag:s8] =	ssyncset.s32 @!p0 $0xFFFFF086;
	s6 =	sadd.s32 @!p0 s3, s7;
	s7 =	simm.s32 @!p0 $0x108  }
0x21: {  	s3 =	sadd.s32 s3, s9;
	s6 =	sadd.s32 @!p0 $0x88, s6;
	s7 =	simm.s32 @p2 $0x1082  }
0x22: {  	[simem:s7], [sflag:s8] =	dma.local @!p0 [hbm:s6], $0xF7A  }
0x23: {  	s9 =	sor.u32 $0xD0000000, s2;
	s6 =	simm.s32 $0x108;
	_ =	swait.ge @!p0 [sflag:s8], $0x0  }
0x24: {  	s3 =	sadd.s32 $0x88, s3;
	s6 =	simm.s32 @!p1 $0x1082;
	[sflag:s4] =	ssyncset.s32 $0xFFFFF086  }
0x25: {  	[simem:s6], [sflag:s4] =	dma.local [hbm:s3], $0xF7A  }
0x26: {  	[smem:$0x3F9C] =	sst s1;
	(tag) =	ssettag s2;
	_ =	strace s9  }
0x27: {  	s1 =	sld [smem:$0x3FAC]  }
0x28: {  	s2 =	sld [smem:$0x3FAD]  }
0x29: {  	s4 =	sld [smem:$0x3FAF]  }
0x2a: {  	p0 =	seq.s32 s5, $0x0;
	s5 =	sld [smem:$0x3FB0]  }
0x2b: {  	s6 =	sld [smem:$0x3FB1]  }
0x2c: {  	s7 =	sld [smem:$0x3FB2]  }
0x2d: {  	s3 =	simm.s32 $0x108;
	s8 =	sld [smem:$0x3FB3]  }
0x2e: {  	s3 =	simm.s32 @!p0 $0x1082;
	s9 =	sld [smem:$0x3FB4]  }
0x2f: {  	lr =	sadd.s32 s0, s3;
	s0 =	sld [smem:$0x3FAB]  }
0x30: {  	s3 =	sld [smem:$0x3FAE]  }
0x31: {  	[smem:$0x3FB7] =	sst s10  }
0x32: {  	s10 =	sld [smem:$0x3FB5];
	_ =	sdelay $0x3  }
0x33: {  	p0 =	seq.s32 s10, $0x1;
	s10 =	sld [smem:$0x3FB7];
	_ =	sdelay $0x3  }
0x34: {  	[smem:$0x3FB7] =	sst s10  }
0x35: {  	s10 =	sld [smem:$0x3FB6];
	_ =	sdelay $0x3  }
0x36: {  	p1 =	seq.s32 s10, $0x1;
	s10 =	sld [smem:$0x3FB7];
	_ =	sdelay $0x3  }
0x37: {  	[smem:$0x3FB7] =	sst s10  }
0x38: {  	s10 =	sld [smem:$0x3FB8]  }
0x39: {  	_ = 	snop;
	(pc) =	sbr.ind lr, $3  }
0x3a: {  	_ = 	snop  }
0x3b: {  	_ = 	snop  }
0x3c: {  	p2 =	seq.s32 s10, $0x1;
	s10 =	sld [smem:$0x3FB7]  }
0x3d: {  	_ =	shalt  }
0x3e: {  	_ =	shalt  }
0x3f: {  	_ =	shalt  }
0x40: {  	_ =	shalt  }
0x41: {  	_ =	shalt  }
0x42: {  	_ =	shalt  }
0x43: {  	_ =	shalt  }
0x44: {  	_ =	shalt  }
0x45: {  	_ =	shalt  }
0x46: {  	_ =	shalt  }
0x47: {  	_ =	shalt  }
0x48: {  	_ =	shalt  }
0x49: {  	_ =	shalt  }
0x4a: {  	_ =	shalt  }
0x4b: {  	_ =	shalt  }
0x4c: {  	_ =	shalt  }
0x4d: {  	_ =	shalt  }
0x4e: {  	_ =	shalt  }
0x4f: {  	_ =	shalt  }
0x50: {  	_ =	shalt  }
0x51: {  	_ =	shalt  }
0x52: {  	_ =	shalt  }
0x53: {  	_ =	shalt  }
0x54: {  	_ =	shalt  }
0x55: {  	_ =	shalt  }
0x56: {  	_ =	shalt  }
0x57: {  	_ =	shalt  }
0x58: {  	_ =	shalt  }
0x59: {  	_ =	shalt  }
0x5a: {  	_ =	shalt  }
0x5b: {  	_ =	shalt  }
0x5c: {  	_ =	shalt  }
0x5d: {  	_ =	shalt  }
0x5e: {  	_ =	shalt  }
0x5f: {  	_ =	shalt  }
0x60: {  	_ =	shalt  }
0x61: {  	_ =	shalt  }
0x62: {  	_ =	shalt  }
0x63: {  	_ =	shalt  }
0x64: {  	_ =	shalt  }
0x65: {  	_ =	shalt  }
0x66: {  	_ =	shalt  }
0x67: {  	_ =	shalt  }
0x68: {  	_ =	shalt  }
0x69: {  	_ =	shalt  }
0x6a: {  	_ =	shalt  }
0x6b: {  	_ =	shalt  }
0x6c: {  	_ =	shalt  }
0x6d: {  	_ =	shalt  }
0x6e: {  	_ =	shalt  }
0x6f: {  	_ =	shalt  }
0x70: {  	_ =	shalt  }
0x71: {  	_ =	shalt  }
0x72: {  	_ =	shalt  }
0x73: {  	_ =	shalt  }
0x74: {  	_ =	shalt  }
0x75: {  	_ =	shalt  }
0x76: {  	_ =	shalt  }
0x77: {  	_ =	shalt  }
0x78: {  	_ =	shalt  }
0x79: {  	_ =	shalt  }
0x7a: {  	_ =	shalt  }
0x7b: {  	_ =	shalt  }
0x7c: {  	_ =	shalt  }
0x7d: {  	_ =	shalt  }
0x7e: {  	_ =	shalt  }
0x7f: {  	_ =	shalt  }
0x80: {  	_ =	shalt  }
0x81: {  	_ =	shalt  }
0x82: {  	_ =	shalt  }
0x83: {  	_ =	shalt  }
0x84: {  	_ =	shalt  }
0x85: {  	_ =	shalt  }
0x86: {  	_ =	shalt  }
0x87: {  	_ =	shalt  }
.Lfunc_end0:
.L_simem_size_0:
called_computation.1_lowered:
.L_overlay_start_0:
0x88: {  	s2 =	sld [smem:$0x3FD9]  }
0x89: {  	s3 =	sld [smem:$0x3FFE];
	_ =	sdelay $0x1  }
0x8a: {  	s1 =	srdreg.scid  }
0x8b: {  	s0 =	sand.u32 $0x1, s1  }
0x8c: {  	s17 =	sshll.u32 s0, $0xA;
	s2 =	sadd.s32 s3, s2  }
0x8d: {  	s2 =	sadd.s32 s2, s17  }
0x8e: {  	[smem:$0x3FC3] =	sst s2  }
0x8f: {  	_ = 	snop  }
0x90: {  	s2 =	sld [smem:$0x3FC9]  }
0x91: {  	s18 =	sld [smem:$0x3FD0];
	(tm) =	ssettm $0x1  }
0x92: {  	s4 =	sld [smem:$0x3FFB];
	_ =	sdelay $0x3  }
0x93: {  	_ =	strace s4  }
0x94: {  	s4 =	sld [smem:$0x3FFC];
	_ =	sdelay $0x3  }
0x95: {  	_ =	strace s4  }
0x96: {  	s4 =	sld [smem:$0x3FFD];
	_ =	sdelay $0x3  }
0x97: {  	_ =	strace s4  }
0x98: {  	_ =	strace $0x8FFFFFFF  }
0x99: {  	s19 =	sld [smem:$0x3FDB];
	_ =	sdelay $0x1  }
0x9a: {  	s5 =	simm.s32 $_scs_section_size  }
0x9b: {  	s6 =	simm.s32 $_size__tile_overlayer_lowered;
	s7 =	simm.s32 $_tile_overlayer_lowered  }
0x9c: {  	s22 =	simm.s32 $0x1BFF;
	s21 =	sshll.u32 s7, $0x1;
	s4 =	sadd.s32 s5, s19  }
0x9d: {  	s8 =	simm.s32 $0x0;
	s20 =	sshll.u32 s6, $0x1;
	s6 =	sadd.s32 s21, s4  }
0x9e: {  	[timem:s8], [sflag:s22] =	dma.local [hbm:s6], s20  }
0x9f: {  	_ =	swait.ge [sflag:s22], s20  }
0xa0: {  	s5 =	ssub.s32 $0x0, s20;
	[sflag:s22] =	ssyncset.done $0x0  }
0xa1: {  	[sflag:s22] =	ssyncadd.s32 s5;
	_ =	sdelay $0x1  }
0xa2: {  	s23 =	simm.s32 $0x1B8B  }
0xa3: {  	_ =	swait.ge [sflag:s23], $0x1  }
0xa4: {  	[sflag:s23] =	ssyncset.done $0x0  }
0xa5: {  	s25 =	simm.s32 $0x1B8E;
	s24 =	sld [smem:$0x3FFE];
	[sflag:s23] =	ssyncadd.s32 $0xFFFFFFFF  }
0xa6: {  	s26 =	simm.s32 $execute0_lowered;
	[smem:$0x3FD2] =	sst s25  }
0xa7: {  	s6 =	sshll.u32 s26, $0x1;
	_ =	strace $0x80000049;
	[dreg:$0x1] =	wrdreg $0xFFFFFFFF  }
0xa8: {  	s28 =	simm.s32 $_size_execute0_lowered;
	s4 =	sadd.s32 s4, s6;
	[dreg:$0x0] =	wrdreg $0x0  }
0xa9: {  	s6 =	sshll.u32 s28, $0x1;
	[dreg:$0x2] =	wrdreg s4  }
0xaa: {  	[dreg:$0x3] =	wrdreg s6  }
0xab: {  	[dreg:$0x4] =	wrdreg $0xC0  }
0xac: {  	_ =	task [dreg:s8], $0x5FFFF  }
0xad: {  	[dreg:$0x1] =	wrdreg $0xFFFFFFFF  }
0xae: {  	[dreg:$0x0] =	wrdreg $0x60  }
0xaf: {  	[dreg:$0x2] =	wrdreg s2  }
0xb0: {  	[dreg:$0x3] =	wrdreg s24  }
0xb1: {  	[dreg:$0x4] =	wrdreg s18  }
0xb2: {  	[dreg:$0x5] =	wrdreg $0x9  }
0xb3: {  	_ =	task.clear_ibuf [dreg:s8], $0x6FFFF;
	_ =	strace $0x90000049  }
0xb4: {  	s29 =	simm.s32 $0x9;
	_ =	strace $0x8000004B  }
0xb5: {  	_ =	swait.ge [sflag:s29], $0x1  }
0xb6: {  	[sflag:s29] =	ssyncadd.s32 $0xFFFFFFFF  }
0xb7: {  	_ =	strace $0x9000004B  }
0xb8: {  	_ =	sfence  }
0xb9: {  	s30 =	sld [smem:$0x0];
	_ =	sdelay $0x2  }
0xba: {  	s31 =	sshll.u32 s1, $0xD;
	s1 =	sshrl.u32 s1, $0x2  }
0xbb: {  	s3 =	sand.u32 $0x4000, s31;
	s1 =	sadd.s32 s1, s30  }
0xbc: {  	s0 =	sor.u32 s3, s0;
	s1 =	sshll.u32 s1, $0x11  }
0xbd: {  	s0 =	sor.u32 s1, s0  }
0xbe: {  	s0 =	sadd.s32 $0x8F2B, s0  }
0xbf: {  	[sflag:s0] =	ssyncadd.remote.s32 $0x1  }
0xc0: {  	_ =	sfence.sel $0xFFFF  }
0xc1: {  	[dreg:$0x0] =	wrdreg $0xFFFFFFFF;
	(pc) =	sbr.abs _section_cstart, $3  }
0xc2: {  	[dreg:$0x1] =	wrdreg $0xFFFFFFFF  }
0xc3: {  	_ =	task.clear_ibuf [dreg:s8], $0x2FFFF;
	_ =	strace $0x9FFFFFFF  }
0xc4: {  	(tm) =	ssettm $0x7FFFFFFF  }
0xc5: {  	_ =	shalt  }
tec
execute0_lowered:
.L_overlay_start_1:
0x0: {  	(tag) =	ssettag $0x1  }
0x1: {  	s0 =	rddreg [dreg:$0x0]  }
0x2: {  	s1 =	srdreg.scid;
	s2 =	rddreg [dreg:$0x1]  }
0x3: {  	s3 =	rddreg [dreg:$0x2];
	s14 =	stileid.u32;
	s4 =	simm.s32 $0x0  }
0x4: {  	s16 =	simm.s32 $0x5;
	s17 =	simm.s32 $0xBF00;
	s18 =	simm.s32 $0x7D00  }
0x5: {  	s19 =	simm.s32 $0x3E80;
	s20 =	simm.s32 $0x7E00;
	s1 =	sand.u32 $0x1, s1  }
0x6: {  	s21 =	simm.s32 $0x4;
	s22 =	simm.s32 $0x3;
	s5 =	sshll.u32 s1, $0x4  }
0x7: {  	s23 =	simm.s32 $0x0;
	s7 =	sor.u32 s14, s5;
	s14 =	smul.u32 $0x5, s14  }
0x8: {  	[smem:$0x7FF] =	sst s4;
	s6 =	sadd.s32 $0x1C00, s2;
	s5 =	smul.u32 $0x19, s7  }
0x9: {  	s8 =	sadd.s32 $0x5600, s2;
	s1 =	ssub.s32 $0x2, s1;
	s10 =	smul.u32 $0xC35, s7  }
0xa: {  	s29 =	sshrl.u32 s1, $0x1;
	s9 =	smul.u32 $0xC350, s7;
	s11 =	sadd.s32 $0x1, s5  }
0xb: {  	_ =	strace $0x8000004A;
	s1 =	ssub.s32 s1, s29;
	s12 =	smul.u32 $0x7D, s11  }
0xc: {  	s7 =	sadd.s32 $0x4E00, s2;
	s13 =	smax.u32 s1, $0x1;
	s11 =	smul.u32 $0x7D0, s11  }
0xd: {  	s9 =	sadd.s32 s0, s9;
	s30 =	sshrl.u32 s10, $0x3;
	s31 =	sshrl.u32 s12, $0x3  }
0xe: {  	s10 =	sadd.s32 s6, s30;
	s11 =	sadd.s32 s0, s11;
	s12 =	sadd.s32 s6, s31  }
.LBB2_1:
0xf: {  	s1 =	simm.s32 $0x7F00  }
0x10: {  	[tilespmem:s1], [sflag:$0x5] =	stream.linear.gather [hbm4b:s7+s4], $0x4000, $0x38;
	[tilespmem:$0x17C00] =	vst v63  }
0x11: {  	_ =	swait.ge [sflag:s16], $0x4000  }
0x12: {  	[sflag:s16] =	ssyncset.done $0x0  }
0x13: {  	[sflag:s16] =	ssyncadd.s32 $0xFFFFC000  }
0x14: {  	[tilespmem:s17], [sflag:$0x5] =	stream.linear.gather [hbm4b:s8+s4], $0x4000, $0x38;
	[tilespmem:$0x17C00] =	vst v63  }
0x15: {  	_ =	swait.ge [sflag:s16], $0x4000  }
0x16: {  	[sflag:s16] =	ssyncset.done $0x0  }
0x17: {  	[sflag:s16] =	ssyncadd.s32 $0xFFFFC000  }
0x18: {  	[tilespmem:s4], [sflag:$0x1] =	stream.linear.gather [hbm4b:s9+s4], $0x3E80, $0x38;
	[tilespmem:$0x17C00] =	vst v63  }
0x19: {  	v0 =	vimm.f32 $0.0e+00  }
0x1a: {  	v1 =	vimm.f32 $0.0e+00;
	v2 =	vimm.f32 $0.0e+00;
	v3 =	vimm.f32 $0.0e+00;
	[tilespmem:s18], [sflag:$0x1] =	stream.linear.gather [hbm4b:s10+s4], $0x100, $0x38;
	[tilespmem:$0x17C00] =	vst v63  }
0x1b: {  	v4 =	vimm.f32 $0.0e+00;
	v5 =	vimm.f32 $0.0e+00;
	v6 =	vimm.f32 $0.0e+00;
	s29 =	simm.s32 $0xFFFFFFFF  }
0x1c: {  	v7 =	vimm.f32 $0.0e+00;
	v8 =	vimm.f32 $0.0e+00;
	v9 =	vimm.f32 $0.0e+00;
	[tilespmem:s19], [sflag:$0x2] =	stream.linear.gather [hbm4b:s11+s4], $0x3E80, $0x38;
	[tilespmem:$0x17C00] =	vst v63  }
0x1d: {  	v10 =	vimm.f32 $0.0e+00;
	v11 =	vimm.f32 $0.0e+00;
	v12 =	vimm.f32 $0.0e+00;
	p0 =	por $0x0, $0x0;
	s24 =	smov.u32 s14;
	s25 =	simm.s32 $0x0  }
0x1e: {  	v13 =	vimm.f32 $0.0e+00;
	v14 =	vimm.f32 $0.0e+00;
	v15 =	vimm.f32 $0.0e+00;
	[tilespmem:s20], [sflag:$0x2] =	stream.linear.gather [hbm4b:s12+s4], $0x100, $0x38;
	[tilespmem:$0x17C00] =	vst v63  }
.LBB2_2:
0x1f: {  	s26 =	sand.u32 $0x1, s25  }
0x20: {  	p1 =	seq.s32 s26, $0x1  }
0x21: {  	s1 =	simm.s32 @!p1 $0x1  }
0x22: {  	_ =	swait.ge @!p1 [sflag:s1], $0x3E80  }
0x23: {  	[sflag:s1] =	ssyncset.done @!p1 $0x0  }
0x24: {  	[sflag:s1] =	ssyncadd.s32 @!p1 $0xFFFFC180  }
0x25: {  	_ =	swait.ge @!p1 [sflag:s1], $0x100  }
0x26: {  	p2 =	seq.s32 s26, $0x0;
	[sflag:s1] =	ssyncset.done @!p1 $0x0  }
0x27: {  	[sflag:s1] =	ssyncadd.s32 @!p1 $0xFFFFFF00;
	s1 =	simm.s32 @!p2 $0x2  }
0x28: {  	_ =	swait.ge @!p2 [sflag:s1], $0x3E80  }
0x29: {  	[sflag:s1] =	ssyncset.done @!p2 $0x0  }
0x2a: {  	p3 =	slt.u32 s25, $0x2;
	[sflag:s1] =	ssyncadd.s32 @!p2 $0xFFFFC180  }
0x2b: {  	p4 =	sne.s32 @!p3 s26, $0x0;
	_ =	swait.ge @!p2 [sflag:s1], $0x100  }
0x2c: {  	p4 =	por p4, p3;
	[sflag:s1] =	ssyncset.done @!p2 $0x0  }
0x2d: {  	[sflag:s1] =	ssyncadd.s32 @!p2 $0xFFFFFF00;
	s1 =	simm.s32 @!p4 $0x3  }
0x2e: {  	p2 =	por !p1, !p1;
	_ =	swait.ge @!p4 [sflag:s1], $0x3E80  }
0x2f: {  	s2 =	simm.s32 $0x1;
	p3 =	por p3, p2;
	[sflag:s1] =	ssyncset.done @!p4 $0x0  }
0x30: {  	s2 =	simm.s32 @!p0 $0x0;
	[sflag:s1] =	ssyncadd.s32 @!p4 $0xFFFFC180;
	s1 =	simm.s32 @!p3 $0x4  }
0x31: {  	s28 =	sand.u32 $0x7, s24;
	s30 =	sshll.u32 s2, $0x8;
	_ =	swait.ge @!p3 [sflag:s1], $0x3E80  }
0x32: {  	s28 =	sor.u32 s28, s30;
	[sflag:s1] =	ssyncset.done @!p3 $0x0  }
0x33: {  	s28 =	sadd.s32 $0x7D00, s28;
	[sflag:s1] =	ssyncadd.s32 @!p3 $0xFFFFC180  }
0x34: {  	v16 =	vld [tilespmem:s28+$0x0];
	_ =	sdelay $0x4  }
0x35: {  	(v2sf) =	vpush v16, $0x0;
	_ =	sdelay $0x7  }
0x36: {  	s2 =	smul.u32 $0xFA00, s2;
	_ =	sdelay $0x1  }
0x37: {  	s1 =	sshrl.u32 s2, $0x2  }
0x38: {  	s15 =	sor.u32 $0x40, s1  }
0x39: {  	v16 =	vmov s15;
	_ =	sdelay $0x2  }
0x3a: {  	s2 =	spop (v2sf)  }
0x3b: {  	s30 =	simm.s32 $0x0;
	p3 =	seq.s32 s2, s29  }
0x3c: {  	v18 =	vld.idx.msk [tilespmem:v16+s30+$0xFFFFFFC0 ss:$0x1], $0xffff;
	s29 =	sshll.u32 @!p3 s2, $0x7  }
0x3d: {  	v19 =	vld @!p3 [tilespmem:s29+$0xBF70]  }
0x3e: {  	v20 =	vld @!p3 [tilespmem:s29+$0xBF60]  }
0x3f: {  	v21 =	vld @!p3 [tilespmem:s29+$0xBF50]  }
0x40: {  	v22 =	vld @!p3 [tilespmem:s29+$0xBF40]  }
0x41: {  	v23 =	vld @!p3 [tilespmem:s29+$0xBF30]  }
0x42: {  	v25 =	vld @!p3 [tilespmem:s29+$0x7F00]  }
0x43: {  	v24 =	vld @!p3 [tilespmem:s29+$0xBF00]  }
0x44: {  	v26 =	vld @!p3 [tilespmem:s29+$0xBF20]  }
0x45: {  	v27 =	vld @!p3 [tilespmem:s29+$0x7F20]  }
0x46: {  	s1 =	sadd.s32 $0xFF40, s1;
	v28 =	vld @!p3 [tilespmem:s29+$0x7F10]  }
0x47: {  	v17 =	vmov s1;
	v29 =	vld @!p3 [tilespmem:s29+$0xBF10];
	v15 =	vpsel p3, v15, v25  }
0x48: {  	v30 =	vld @!p3 [tilespmem:s29+$0x7F70];
	v18 =	vmul.f32 v18, v15  }
0x49: {  	v31 =	vld @!p3 [tilespmem:s29+$0x7F40];
	v7 =	vpsel p3, v7, v24  }
0x4a: {  	v32 =	vld @!p3 [tilespmem:s29+$0x7F30];
	v18 =	vadd.f32 v18, v7  }
0x4b: {  	v25 =	vld @!p3 [tilespmem:s29+$0x7F60]  }
0x4c: {  	v24 =	vld @!p3 [tilespmem:s29+$0x7F50];
	[tilespmem:v17+s30+$0xFFFFFFC0 ss:$0x1] =	vst.idx.msk $0xffff, v18  }
0x4d: {  	v18 =	vld.idx.msk [tilespmem:v16+s30+$0xFFFFFFD0 ss:$0x1], $0xffff;
	_ =	sdelay $0x3  }
0x4e: {  	v14 =	vpsel p3, v14, v28  }
0x4f: {  	v18 =	vmul.f32 v18, v14  }
0x50: {  	v6 =	vpsel p3, v6, v29  }
0x51: {  	v18 =	vadd.f32 v18, v6;
	_ =	sdelay $0x1  }
0x52: {  	[tilespmem:v17+s30+$0xFFFFFFD0 ss:$0x1] =	vst.idx.msk $0xffff, v18  }
0x53: {  	v18 =	vld.idx.msk [tilespmem:v16+s30+$0xFFFFFFE0 ss:$0x1], $0xffff;
	_ =	sdelay $0x3  }
0x54: {  	v13 =	vpsel p3, v13, v27  }
0x55: {  	v18 =	vmul.f32 v18, v13  }
0x56: {  	v5 =	vpsel p3, v5, v26  }
0x57: {  	v18 =	vadd.f32 v18, v5;
	_ =	sdelay $0x1  }
0x58: {  	[tilespmem:v17+s30+$0xFFFFFFE0 ss:$0x1] =	vst.idx.msk $0xffff, v18  }
0x59: {  	v18 =	vld.idx.msk [tilespmem:v16+s30+$0xFFFFFFF0 ss:$0x1], $0xffff;
	_ =	sdelay $0x3  }
0x5a: {  	v12 =	vpsel p3, v12, v32  }
0x5b: {  	v18 =	vmul.f32 v18, v12  }
0x5c: {  	v4 =	vpsel p3, v4, v23  }
0x5d: {  	v18 =	vadd.f32 v18, v4;
	_ =	sdelay $0x1  }
0x5e: {  	[tilespmem:v17+s30+$0xFFFFFFF0 ss:$0x1] =	vst.idx.msk $0xffff, v18  }
0x5f: {  	v18 =	vld.idx.msk [tilespmem:v16+s30+$0x0 ss:$0x1], $0xffff;
	_ =	sdelay $0x3  }
0x60: {  	v11 =	vpsel p3, v11, v31  }
0x61: {  	v18 =	vmul.f32 v18, v11  }
0x62: {  	v3 =	vpsel p3, v3, v22  }
0x63: {  	v18 =	vadd.f32 v18, v3;
	_ =	sdelay $0x1  }
0x64: {  	[tilespmem:v17+s30+$0x0 ss:$0x1] =	vst.idx.msk $0xffff, v18  }
0x65: {  	v18 =	vld.idx.msk [tilespmem:v16+s30+$0x10 ss:$0x1], $0xffff;
	_ =	sdelay $0x3  }
0x66: {  	v10 =	vpsel p3, v10, v24  }
0x67: {  	v18 =	vmul.f32 v18, v10  }
0x68: {  	v2 =	vpsel p3, v2, v21  }
0x69: {  	v18 =	vadd.f32 v18, v2;
	_ =	sdelay $0x1  }
0x6a: {  	[tilespmem:v17+s30+$0x10 ss:$0x1] =	vst.idx.msk $0xffff, v18  }
0x6b: {  	v18 =	vld.idx.msk [tilespmem:v16+s30+$0x20 ss:$0x1], $0xffff;
	_ =	sdelay $0x3  }
0x6c: {  	v9 =	vpsel p3, v9, v25  }
0x6d: {  	v18 =	vmul.f32 v18, v9  }
0x6e: {  	v1 =	vpsel p3, v1, v20  }
0x6f: {  	v18 =	vadd.f32 v18, v1;
	_ =	sdelay $0x1  }
0x70: {  	[tilespmem:v17+s30+$0x20 ss:$0x1] =	vst.idx.msk $0xffff, v18  }
0x71: {  	s31 =	sadd.s32 s5, s25;
	s1 =	simm.s32 $0x200;
	v0 =	vpsel p3, v0, v19;
	v8 =	vpsel p3, v8, v30;
	s29 =	smov.u32 s2;
	v18 =	vld.idx.msk [tilespmem:v16+s30+$0x30 ss:$0x1], $0xffff  }
.LBB2_3:
0x72: {  	_ =	sdelay $0x1  }
0x73: {  	s28 =	sadd.s32 $0x1, s28;
	s2 =	smov.u32 s1;
	s1 =	sadd.s32 $0x200, s1  }
0x74: {  	s15 =	smov.u32 s29;
	p3 =	sne.s32 s1, $0xFA00  }
0x75: {  	v18 =	vmul.f32 v18, v8;
	_ =	sdelay $0x1  }
0x76: {  	v18 =	vadd.f32 v18, v0;
	_ =	sdelay $0x1  }
0x77: {  	[tilespmem:v17+s30+$0x30 ss:$0x1] =	vst.idx.msk $0xffff, v18  }
0x78: {  	v18 =	vld [tilespmem:s28+$0x0];
	_ =	sdelay $0x4  }
0x79: {  	(v2sf) =	vpush v18, $0x0;
	_ =	sdelay $0xe  }
0x7a: {  	s29 =	spop (v2sf)  }
0x7b: {  	s30 =	sshra.s32 s2, $0x2;
	p4 =	seq.s32 s29, s15  }
0x7c: {  	s2 =	sshll.u32 @!p4 s29, $0x7;
	v18 =	vld.idx.msk [tilespmem:v16+s30+$0xFFFFFFC0 ss:$0x1], $0xffff  }
0x7d: {  	v19 =	vld @!p4 [tilespmem:s2+$0xBF70]  }
0x7e: {  	v20 =	vld @!p4 [tilespmem:s2+$0xBF60]  }
0x7f: {  	v21 =	vld @!p4 [tilespmem:s2+$0xBF50]  }
0x80: {  	v22 =	vld @!p4 [tilespmem:s2+$0xBF40]  }
0x81: {  	v23 =	vld @!p4 [tilespmem:s2+$0xBF30]  }
0x82: {  	v24 =	vld @!p4 [tilespmem:s2+$0xBF00];
	v0 =	vpsel p4, v0, v19  }
0x83: {  	v19 =	vld @!p4 [tilespmem:s2+$0x7F00];
	v1 =	vpsel p4, v1, v20  }
0x84: {  	v20 =	vld @!p4 [tilespmem:s2+$0xBF20];
	v2 =	vpsel p4, v2, v21  }
0x85: {  	v21 =	vld @!p4 [tilespmem:s2+$0x7F20];
	v3 =	vpsel p4, v3, v22  }
0x86: {  	v22 =	vld @!p4 [tilespmem:s2+$0x7F10];
	v4 =	vpsel p4, v4, v23  }
0x87: {  	v23 =	vld @!p4 [tilespmem:s2+$0xBF10];
	v7 =	vpsel p4, v7, v24  }
0x88: {  	v24 =	vld @!p4 [tilespmem:s2+$0x7F70];
	v15 =	vpsel p4, v15, v19  }
0x89: {  	v19 =	vld @!p4 [tilespmem:s2+$0x7F60];
	v5 =	vpsel p4, v5, v20;
	v18 =	vmul.f32 v18, v15  }
0x8a: {  	v20 =	vld @!p4 [tilespmem:s2+$0x7F50];
	v13 =	vpsel p4, v13, v21  }
0x8b: {  	v21 =	vld @!p4 [tilespmem:s2+$0x7F40];
	v14 =	vpsel p4, v14, v22;
	v18 =	vadd.f32 v18, v7  }
0x8c: {  	v22 =	vld @!p4 [tilespmem:s2+$0x7F30];
	v6 =	vpsel p4, v6, v23  }
0x8d: {  	v8 =	vpsel p4, v8, v24;
	[tilespmem:v17+s30+$0xFFFFFFC0 ss:$0x1] =	vst.idx.msk $0xffff, v18  }
0x8e: {  	v9 =	vpsel p4, v9, v19;
	v18 =	vld.idx.msk [tilespmem:v16+s30+$0xFFFFFFD0 ss:$0x1], $0xffff  }
0x8f: {  	v10 =	vpsel p4, v10, v20  }
0x90: {  	v11 =	vpsel p4, v11, v21  }
0x91: {  	v12 =	vpsel p4, v12, v22;
	_ =	sdelay $0x2  }
0x92: {  	v18 =	vmul.f32 v18, v14;
	_ =	sdelay $0x1  }
0x93: {  	v18 =	vadd.f32 v18, v6;
	_ =	sdelay $0x1  }
0x94: {  	[tilespmem:v17+s30+$0xFFFFFFD0 ss:$0x1] =	vst.idx.msk $0xffff, v18  }
0x95: {  	v18 =	vld.idx.msk [tilespmem:v16+s30+$0xFFFFFFE0 ss:$0x1], $0xffff;
	_ =	sdelay $0x5  }
0x96: {  	v18 =	vmul.f32 v18, v13;
	_ =	sdelay $0x1  }
0x97: {  	v18 =	vadd.f32 v18, v5;
	_ =	sdelay $0x1  }
0x98: {  	[tilespmem:v17+s30+$0xFFFFFFE0 ss:$0x1] =	vst.idx.msk $0xffff, v18  }
0x99: {  	v18 =	vld.idx.msk [tilespmem:v16+s30+$0xFFFFFFF0 ss:$0x1], $0xffff;
	_ =	sdelay $0x5  }
0x9a: {  	v18 =	vmul.f32 v18, v12;
	_ =	sdelay $0x1  }
0x9b: {  	v18 =	vadd.f32 v18, v4;
	_ =	sdelay $0x1  }
0x9c: {  	[tilespmem:v17+s30+$0xFFFFFFF0 ss:$0x1] =	vst.idx.msk $0xffff, v18  }
0x9d: {  	v18 =	vld.idx.msk [tilespmem:v16+s30+$0x0 ss:$0x1], $0xffff;
	_ =	sdelay $0x5  }
0x9e: {  	v18 =	vmul.f32 v18, v11;
	_ =	sdelay $0x1  }
0x9f: {  	v18 =	vadd.f32 v18, v3;
	_ =	sdelay $0x1  }
0xa0: {  	[tilespmem:v17+s30+$0x0 ss:$0x1] =	vst.idx.msk $0xffff, v18  }
0xa1: {  	v18 =	vld.idx.msk [tilespmem:v16+s30+$0x10 ss:$0x1], $0xffff;
	_ =	sdelay $0x5  }
0xa2: {  	v18 =	vmul.f32 v18, v10;
	_ =	sdelay $0x1  }
0xa3: {  	v18 =	vadd.f32 v18, v2;
	_ =	sdelay $0x1  }
0xa4: {  	[tilespmem:v17+s30+$0x10 ss:$0x1] =	vst.idx.msk $0xffff, v18  }
0xa5: {  	v18 =	vld.idx.msk [tilespmem:v16+s30+$0x20 ss:$0x1], $0xffff;
	_ =	sdelay $0x5  }
0xa6: {  	v18 =	vmul.f32 v18, v9  }
.Ltmp0:
0xa7: {  	(pc) =	sbr.rel @p3 .LBB2_3-.Ltmp0, $3  }
0xa8: {  	v18 =	vadd.f32 v18, v1;
	_ =	sdelay $0x1  }
0xa9: {  	[tilespmem:v17+s30+$0x20 ss:$0x1] =	vst.idx.msk $0xffff, v18  }
0xaa: {  	v18 =	vld.idx.msk [tilespmem:v16+s30+$0x30 ss:$0x1], $0xffff  }
0xab: {  	_ =	sdelay $0x3  }
0xac: {  	v16 =	vmul.f32 v18, v8  }
0xad: {  	p3 =	sne.s32 s26, $0x0  }
0xae: {  	s1 =	smul.u32 @!p3 $0x7D0, s31;
	v16 =	vadd.f32 v16, v0;
	_ =	sdelay $0x1  }
0xaf: {  	s2 =	simm.s32 @!p3 $0x0;
	s15 =	simm.s32 @!p3 $0xFF00;
	s1 =	sadd.s32 @!p3 s3, s1;
	[tilespmem:v17+s30+$0x30 ss:$0x1] =	vst.idx.msk $0xffff, v16  }
0xb0: {  	[hbm4b:s1+s2] =	stream.linear.scatter @!p3 [tilespmem:s15], [sflag:$0x3], $0x3E80, $0x38;
	[tilespmem:$0x17C00] =	vst v63  }
0xb1: {  	p3 =	sgt.u32 s25, $0x16  }
0xb2: {  	s1 =	smul.u32 @p1 $0x7D0, s31;
	p4 =	sne.s32 @!p3 s26, $0x0  }
0xb3: {  	s28 =	simm.s32 @p1 $0x13D80;
	s2 =	sadd.s32 $0x2, s25;
	p4 =	por p4, p3  }
0xb4: {  	s26 =	simm.s32 @p1 $0x0;
	s1 =	sadd.s32 @p1 s3, s1;
	s15 =	sadd.s32 @!p4 s5, s2  }
0xb5: {  	[hbm4b:s1+s26] =	stream.linear.scatter @p1 [tilespmem:s28], [sflag:$0x4], $0x3E80, $0x38;
	[tilespmem:$0x17C00] =	vst v63  }
0xb6: {  	s30 =	smul.u32 @!p4 $0x7D0, s15  }
0xb7: {  	s1 =	smul.u32 @!p4 $0x7D, s15;
	_ =	sdelay $0x1  }
0xb8: {  	s26 =	simm.s32 @!p4 $0x0;
	s15 =	sadd.s32 @!p4 s0, s30;
	s1 =	sshrl.u32 @!p4 s1, $0x3  }
0xb9: {  	[tilespmem:s26], [sflag:$0x1] =	stream.linear.gather @!p4 [hbm4b:s15+s26], $0x3E80, $0x38;
	[tilespmem:$0x17C00] =	vst v63  }
0xba: {  	p1 =	por p3, p2;
	s1 =	sadd.s32 @!p4 s6, s1;
	s15 =	simm.s32 @!p4 $0x7D00  }
0xbb: {  	[tilespmem:s15], [sflag:$0x1] =	stream.linear.gather @!p4 [hbm4b:s1+s26], $0x100, $0x38;
	[tilespmem:$0x17C00] =	vst v63  }
0xbc: {  	s1 =	sadd.s32 @!p1 s5, s2  }
0xbd: {  	s2 =	smul.u32 @!p1 $0x7D0, s1  }
0xbe: {  	s1 =	smul.u32 @!p1 $0x7D, s1  }
0xbf: {  	s15 =	simm.s32 @!p1 $0x0  }
0xc0: {  	s26 =	simm.s32 @!p1 $0x3E80;
	s2 =	sadd.s32 @!p1 s0, s2;
	s1 =	sshrl.u32 @!p1 s1, $0x3  }
0xc1: {  	[tilespmem:s26], [sflag:$0x2] =	stream.linear.gather @!p1 [hbm4b:s2+s15], $0x3E80, $0x38;
	[tilespmem:$0x17C00] =	vst v63  }
0xc2: {  	s25 =	sadd.s32 $0x1, s25;
	s1 =	sadd.s32 @!p1 s6, s1;
	s2 =	simm.s32 @!p1 $0x7E00  }
0xc3: {  	[tilespmem:s2], [sflag:$0x2] =	stream.linear.gather @!p1 [hbm4b:s1+s15], $0x100, $0x38;
	[tilespmem:$0x17C00] =	vst v63  }
0xc4: {  	p1 =	sne.s32 s25, $0x19  }
.Ltmp1:
0xc5: {  	_ = 	snop;
	(pc) =	sbr.rel @p1 .LBB2_2-.Ltmp1, $2  }
0xc6: {  	_ =	sdelay $0x2  }
0xc7: {  	p0 =	por !p0, !p0;
	s24 =	sadd.s32 $0x5, s24  }
0xc8: {  	s23 =	sadd.s32 $0x1, s23  }
0xc9: {  	_ =	swait.ge [sflag:s21], $0x3E80;
	p0 =	sne.s32 s23, s13  }
.Ltmp2:
0xca: {  	[sflag:s21] =	ssyncset.done $0x0;
	(pc) =	sbr.rel @p0 .LBB2_1-.Ltmp2, $4  }
0xcb: {  	[sflag:s21] =	ssyncadd.s32 $0xFFFFC180  }
0xcc: {  	_ =	swait.ge [sflag:s22], $0x3E80  }
0xcd: {  	[sflag:s22] =	ssyncset.done $0x0  }
0xce: {  	[sflag:s22] =	ssyncadd.s32 $0xFFFFC180  }
0xcf: {  	_ =	sfence.sel $0x180000  }
0xd0: {  	[bflag:$0x0] =	sbarrier.arrive $0xFFFF  }
0xd1: {  	_ =	strace $0x9000004A  }
0xd2: {  	s0 =	stileid.u32;
	[bflag:$0x2] =	sbarrier.arrive $0xFFFF  }
0xd3: {  	p0 =	sne.s32 s0, $0x0;
	s0 =	rddreg [dreg:$0x3]  }
0xd4: {  	s0 =	sadd.s32 @!p0 $0x100000, s0  }
0xd5: {  	[sflag:s0] =	ssyncadd.tile.s32 @!p0 $0x1;
	_ =	shalt  }
.Lfunc_end2:
_tile_overlayer_lowered:
.L_overlay_start_2:
0xd6: {  	(tag) =	ssettag $0x2  }
0xd7: {  	s0 =	rddreg [dreg:$0x0];
	s2 =	stileid.u32  }
0xd8: {  	s1 =	rddreg [dreg:$0x1];
	p0 =	sne.s32 s2, $0x0  }
0xd9: {  	s3 =	rddreg [dreg:$0x2];
	[bflag:$0x3] =	sbarrier.arrive $0xFFFF;
	s2 =	simm.s32 @!p0 $0x1C05  }
0xda: {  	[timem:s3], [sflag:s2] =	dma.local @!p0 [hbm:s0], s1  }
0xdb: {  	s0 =	simm.s32 @!p0 $0x5  }
0xdc: {  	_ =	swait.ge @!p0 [sflag:s0], s1  }
0xdd: {  	s1 =	ssub.s32 @!p0 $0x0, s1;
	[sflag:s0] =	ssyncset.done @!p0 $0x0  }
0xde: {  	[sflag:s0] =	ssyncadd.s32 @!p0 s1  }
0xdf: {  	[bflag:$0x3] =	sbarrier.arrive $0xFFFF  }
0xe0: {  	_ =	shalt  }

</sc_bundles>
